<compile_context>
chip_gen: v7x
topology: tpu7x:2x2x1
jax: 0.10.2.dev20260603
libtpu: 0.0.44.dev20260713+nightly
codegen_flags: <defaults>
</compile_context>

<pallas_src>
import jax
import jax.numpy as jnp
from jax.experimental import pallas as pl
from jax.experimental.pallas import tpu as pltpu
from jax.experimental.pallas import tpu_sc as plsc

TOPK = 15
ROW_BLOCK = 128


def _bn_stat_cols(x, w1, b1, g1, be1, w2, b2, g2, be2, w3, b3, g3, be3):
    def conv1d(h, w, b):
        y = jax.lax.conv_general_dilated(
            h, w, window_strides=(1,), padding="VALID",
            dimension_numbers=("NCH", "OIH", "NCH"))
        return y + b[None, :, None]

    def stats(y):
        m = y.mean(axis=(0, 2), keepdims=True)
        v = y.var(axis=(0, 2), keepdims=True)
        return m, jnp.sqrt(v + 1e-5)

    def cols(a, c, l):
        return jnp.broadcast_to(jnp.transpose(a, (0, 2, 1)),
                                (1, l, c)).reshape(1, c * l)

    h = x[:, None, :]
    y1 = jax.nn.relu(conv1d(h, w1, b1))
    m1, s1 = stats(y1)
    h1 = g1[None, :, None] * (y1 - m1) / s1 + be1[None, :, None]
    y2 = jax.nn.relu(conv1d(h1, w2, b2))
    m2, s2 = stats(y2)
    h2 = g2[None, :, None] * (y2 - m2) / s2 + be2[None, :, None]
    y3 = jax.nn.relu(conv1d(h2, w3, b3))
    m3, s3 = stats(y3)
    return (cols(m1, 8, 19), cols(s1, 8, 19),
            cols(m2, 16, 15), cols(s2, 16, 15),
            cols(m3, 32, 11), cols(s3, 32, 11))


def _embed_body(x_ref, w1_ref, b1_ref, m1_ref, s1_ref, g1_ref, be1_ref,
                w2_ref, b2_ref, m2_ref, s2_ref, g2_ref, be2_ref,
                w3_ref, b3_ref, m3_ref, s3_ref, g3_ref, be3_ref,
                wl_ref, bl_ref, out_ref):
    def dot(a, wref):
        return jnp.dot(a.astype(jnp.bfloat16), wref[...],
                       preferred_element_type=jnp.float32)

    def bn(y, m_ref, s_ref, g_ref, be_ref):
        return g_ref[...] * (y - m_ref[...]) / s_ref[...] + be_ref[...]

    x = x_ref[...]
    rb = x.shape[0]
    y1 = jnp.concatenate([dot(x[:, t:t + 7], w1_ref) for t in range(19)],
                         axis=1)
    h1 = bn(jnp.maximum(y1 + b1_ref[...], 0.0),
            m1_ref, s1_ref, g1_ref, be1_ref)
    y2 = jnp.concatenate(
        [dot(h1[:, 8 * t:8 * (t + 5)], w2_ref) for t in range(15)], axis=1)
    h2 = bn(jnp.maximum(y2 + b2_ref[...], 0.0),
            m2_ref, s2_ref, g2_ref, be2_ref)
    y3 = jnp.concatenate(
        [dot(h2[:, 16 * t:16 * (t + 5)], w3_ref) for t in range(11)], axis=1)
    h3 = bn(jnp.maximum(y3 + b3_ref[...], 0.0),
            m3_ref, s3_ref, g3_ref, be3_ref)
    h3c = jnp.swapaxes(h3.reshape(rb, 11, 32), 1, 2).reshape(rb, 352)
    out_ref[...] = jnp.maximum(dot(h3c, wl_ref) + bl_ref[...], 0.0)


def _topk_body(m1_ref, m2_ref, m1f_ref, m2f_ref, a_ref, tv_ref, ti_ref):
    m1 = m1_ref[...]
    m2 = m2_ref[...]
    s1 = jax.lax.dot_general(m1, m2f_ref[...], (((1,), (1,)), ((), ())),
                             preferred_element_type=jnp.float32)
    s2 = jax.lax.dot_general(m2, m1f_ref[...], (((1,), (1,)), ((), ())),
                             preferred_element_type=jnp.float32)
    a = jnp.maximum(s1 - s2, 0.0)
    n = a.shape[1]
    iota = jax.lax.broadcasted_iota(jnp.int32, a.shape, 1)
    w = a
    vs, ids = [], []
    for _ in range(TOPK):
        mx = jnp.max(w, axis=1, keepdims=True)
        m = w == mx
        idx = jnp.min(jnp.where(m, iota, n), axis=1, keepdims=True)
        w = jnp.where(m, -jnp.inf, w)
        vs.append(mx)
        ids.append(idx)
    a_ref[...] = jnp.where(w == -jnp.inf, a, 0.0)
    tv_ref[...] = jnp.concatenate(vs + [jnp.zeros_like(vs[0])], axis=1)
    ti_ref[...] = jnp.concatenate(
        ids + [jnp.full_like(ids[0], jnp.iinfo(jnp.int32).max)], axis=1)


def _edge_sort_sc(ti16, tv16):
    n = ti16.shape[0]
    info = plsc.get_sparse_core_info()
    nc, ns = info.num_cores, info.num_subcores
    rows_per = n // (nc * ns)
    mesh = plsc.VectorSubcoreMesh(core_axis_name="c", subcore_axis_name="s")

    def body(ti_hbm, tv_hbm, tis_hbm, tvs_hbm, kbuf, vbuf):
        wid = jax.lax.axis_index("s") * nc + jax.lax.axis_index("c")
        base = wid * rows_per
        pltpu.sync_copy(ti_hbm.at[pl.ds(base, rows_per)], kbuf)
        pltpu.sync_copy(tv_hbm.at[pl.ds(base, rows_per)], vbuf)

        @pl.loop(0, rows_per)
        def _(i):
            ks, vs = plsc.sort_key_val(kbuf[i], vbuf[i])
            kbuf[i] = ks
            vbuf[i] = vs

        pltpu.sync_copy(kbuf, tis_hbm.at[pl.ds(base, rows_per)])
        pltpu.sync_copy(vbuf, tvs_hbm.at[pl.ds(base, rows_per)])

    return pl.kernel(
        body,
        out_type=[jax.ShapeDtypeStruct((n, 16), jnp.int32),
                  jax.ShapeDtypeStruct((n, 16), jnp.float32)],
        mesh=mesh,
        scratch_types=[pltpu.VMEM((rows_per, 16), jnp.int32),
                       pltpu.VMEM((rows_per, 16), jnp.float32)],
        compiler_params=pltpu.CompilerParams(needs_layout_passes=False),
    )(ti16, tv16)


@jax.jit
def kernel(x, w1, b1, g1, be1, w2, b2, g2, be2, w3, b3, g3, be3, wl, bl):
    n = x.shape[0]

    def rep(v, l):
        return jnp.tile(v, l)[None, :]

    w1k = w1[:, 0, :].T.astype(jnp.bfloat16)
    w2k = jnp.transpose(w2, (2, 1, 0)).reshape(40, 16).astype(jnp.bfloat16)
    w3k = jnp.transpose(w3, (2, 1, 0)).reshape(80, 32).astype(jnp.bfloat16)
    wlt = wl.T.astype(jnp.bfloat16)

    mc1, sc1, mc2, sc2, mc3, sc3 = _bn_stat_cols(
        x, w1, b1, g1, be1, w2, b2, g2, be2, w3, b3, g3, be3)

    rb = 512
    operands = (x, w1k, rep(b1, 19), mc1, sc1, rep(g1, 19), rep(be1, 19),
                w2k, rep(b2, 15), mc2, sc2, rep(g2, 15), rep(be2, 15),
                w3k, rep(b3, 11), mc3, sc3, rep(g3, 11), rep(be3, 11),
                wlt, bl[None, :])
    in_specs = ([pl.BlockSpec((rb, x.shape[1]), lambda i: (i, 0))]
                + [pl.BlockSpec(a.shape, lambda i: (0, 0))
                   for a in operands[1:]])
    h = pl.pallas_call(
        _embed_body,
        grid=(n // rb,),
        in_specs=in_specs,
        out_specs=pl.BlockSpec((rb, 64), lambda i: (i, 0)),
        out_shape=jax.ShapeDtypeStruct((n, 64), jnp.float32),
    )(*operands)

    m1 = h[:, :32].astype(jnp.bfloat16)
    m2 = h[:, 32:].astype(jnp.bfloat16)

    nb = n // ROW_BLOCK
    a, tv, ti = pl.pallas_call(
        _topk_body,
        grid=(nb,),
        in_specs=[
            pl.BlockSpec((ROW_BLOCK, 32), lambda i: (i, 0)),
            pl.BlockSpec((ROW_BLOCK, 32), lambda i: (i, 0)),
            pl.BlockSpec((n, 32), lambda i: (0, 0)),
            pl.BlockSpec((n, 32), lambda i: (0, 0)),
        ],
        out_specs=[
            pl.BlockSpec((ROW_BLOCK, n), lambda i: (i, 0)),
            pl.BlockSpec((ROW_BLOCK, 16), lambda i: (i, 0)),
            pl.BlockSpec((ROW_BLOCK, 16), lambda i: (i, 0)),
        ],
        out_shape=[
            jax.ShapeDtypeStruct((n, n), jnp.float32),
            jax.ShapeDtypeStruct((n, 16), jnp.float32),
            jax.ShapeDtypeStruct((n, 16), jnp.int32),
        ],
    )(m1, m2, m1, m2)

    ti_s, tv_s = _edge_sort_sc(ti, tv)

    src = jnp.repeat(jnp.arange(n, dtype=jnp.int32), TOPK)
    edge_indices = jnp.stack([src, ti_s[:, :TOPK].reshape(-1)], axis=0)
    return (edge_indices, tv_s[:, :TOPK].reshape(-1), a)

# --- scband reference (transcript-rebuilt; emitter-appended) ---
"""Pipeline reference for scband-conv-embedding-33157147525315 (READ-ONLY COPY).

The authoritative reference and input builder live on the scoring server;
editing this copy changes nothing except your own understanding.
"""

import jax, jax.numpy as jnp
import numpy as np

N = 8192
F_IN = 25
TOPK = 15


def _conv1d(x, w, b):
    y = jax.lax.conv_general_dilated(x, w, window_strides=(1,), padding='VALID',
                                     dimension_numbers=('NCH', 'OIH', 'NCH'))
    return y + b[None, :, None]


def _bn(x, g, b):
    m = x.mean(axis=(0, 2), keepdims=True)
    v = x.var(axis=(0, 2), keepdims=True)
    return g[None, :, None] * (x - m) / jnp.sqrt(v + 1e-5) + b[None, :, None]


def _embed(x, w1, b1, g1, be1, w2, b2, g2, be2, w3, b3, g3, be3, wl, bl):
    h = x[:, None, :]
    h = _bn(jax.nn.relu(_conv1d(h, w1, b1)), g1, be1)
    h = _bn(jax.nn.relu(_conv1d(h, w2, b2)), g2, be2)
    h = _bn(jax.nn.relu(_conv1d(h, w3, b3)), g3, be3)
    h = h.reshape(h.shape[0], -1)
    h = jax.nn.relu(h @ wl.T + bl)
    return h


def setup_inputs(seed: int = 0):
    key = jax.random.key(seed)
    ks = jax.random.split(key, 8)
    x = jax.random.normal(ks[0], (N, F_IN), dtype=jnp.float32)
    w1 = jax.random.normal(ks[1], (8, 1, 7), dtype=jnp.float32) / np.sqrt(7.0)
    b1 = jnp.zeros((8,), jnp.float32)
    g1 = jnp.ones((8,), jnp.float32)
    be1 = jnp.zeros((8,), jnp.float32)
    w2 = jax.random.normal(ks[2], (16, 8, 5), dtype=jnp.float32) / np.sqrt(40.0)
    b2 = jnp.zeros((16,), jnp.float32)
    g2 = jnp.ones((16,), jnp.float32)
    be2 = jnp.zeros((16,), jnp.float32)
    w3 = jax.random.normal(ks[3], (32, 16, 5), dtype=jnp.float32) / np.sqrt(80.0)
    b3 = jnp.zeros((32,), jnp.float32)
    g3 = jnp.ones((32,), jnp.float32)
    be3 = jnp.zeros((32,), jnp.float32)
    wl = jax.random.normal(ks[4], (64, 352), dtype=jnp.float32) / np.sqrt(352.0)
    bl = jnp.zeros((64,), jnp.float32)
    return dict(x=x, w1=w1, b1=b1, g1=g1, be1=be1, w2=w2, b2=b2, g2=g2, be2=be2,
                w3=w3, b3=b3, g3=g3, be3=be3, wl=wl, bl=bl)


def reference(x, w1, b1, g1, be1, w2, b2, g2, be2, w3, b3, g3, be3, wl, bl):
    h = _embed(x, w1, b1, g1, be1, w2, b2, g2, be2, w3, b3, g3, be3, wl, bl)
    M1 = h[:, :32]
    M2 = h[:, 32:]
    A = jax.nn.relu(M1 @ M2.T - M2 @ M1.T)
    order = jnp.argsort(-A, axis=1)
    j = order[:, TOPK:].reshape(-1)
    i = jnp.repeat(jnp.arange(N), N - TOPK)
    A = A.at[i, j].set(0.0)
    cols = jnp.sort(order[:, :TOPK], axis=1)
    edge_idx_src = jnp.repeat(jnp.arange(N), TOPK)
    edge_idx_dst = cols.reshape(-1)
    edge_attr = jnp.take_along_axis(A, cols, axis=1).reshape(-1)
    edge_indices = jnp.stack([edge_idx_src, edge_idx_dst], axis=0)
    return (edge_indices, edge_attr, A)

if __name__ == "__main__":
    import jax
    _d = setup_inputs()
    print(jax.jit(kernel)(*tuple(_d.values())))

</pallas_src>

<mosaic_0001>
#map = affine_map<(d0, d1) -> (0, 0)>
module attributes {stable_mosaic.version = 14 : i64} {
  func.func @body(%arg0: i32, %arg1: i32, %arg2: memref<8192x16xi32, #tpu.memory_space<hbm>>, %arg3: memref<8192x16xf32, #tpu.memory_space<hbm>>, %arg4: memref<8192x16xi32, #tpu.memory_space<hbm>>, %arg5: memref<8192x16xf32, #tpu.memory_space<hbm>>, %arg6: memref<256x16xi32, #tpu.memory_space<vmem>>, %arg7: memref<256x16xf32, #tpu.memory_space<vmem>>) attributes {dimension_semantics = [#tpu.dimension_semantics<core_parallel>, #tpu.dimension_semantics<subcore_parallel>], iteration_bounds = array<i64: 2, 16>, scalar_prefetch = 0 : i64, scratch_operands = 2 : i64, tpu.core_type = #tpu.core_type<sc_vector_subcore>, window_params = [{transform_indices = #map}, {transform_indices = #map}, {transform_indices = #map}, {transform_indices = #map}]} {
    %mul3A = arith.constant 2 : i32
    %mul3A_0 = arith.muli %arg1, %mul3A : i32
    %add3A = arith.addi %mul3A_0, %arg0 : i32
    %mul3A_1 = arith.constant 256 : i32
    %mul3A_2 = arith.muli %add3A, %mul3A_1 : i32
    "tpu.region"() ({
      %run_scoped3A = tpu.sem_alloc : memref<!tpu.dma_semaphore, #tpu.memory_space<semaphore_mem>>
      %dma_start3A = arith.constant 0 : i32
      %dma_start3A_7 = tpu.memref_slice %arg2[%mul3A_2, %dma_start3A] : memref<8192x16xi32, #tpu.memory_space<hbm>> -> memref<256x16xi32, #tpu.memory_space<hbm>>
      %dma_start3A_8 = arith.constant 0 : i32
      %dma_start3A_9 = tpu.memref_slice %arg2[%mul3A_2, %dma_start3A_8] : memref<8192x16xi32, #tpu.memory_space<hbm>> -> memref<256x16xi32, #tpu.memory_space<hbm>>
      tpu.enqueue_dma source(%dma_start3A_9 : memref<256x16xi32, #tpu.memory_space<hbm>>) target(%arg6 : memref<256x16xi32, #tpu.memory_space<vmem>>) target_semaphore(%run_scoped3A : memref<!tpu.dma_semaphore, #tpu.memory_space<semaphore_mem>>)
      %dma_wait3A = arith.constant 0 : i32
      %dma_wait3A_10 = tpu.memref_slice %arg2[%mul3A_2, %dma_wait3A] : memref<8192x16xi32, #tpu.memory_space<hbm>> -> memref<256x16xi32, #tpu.memory_space<hbm>>
      %dma_wait3A_11 = arith.constant 0 : i32
      %dma_wait3A_12 = tpu.memref_slice %arg2[%mul3A_2, %dma_wait3A_11] : memref<8192x16xi32, #tpu.memory_space<hbm>> -> memref<256x16xi32, #tpu.memory_space<hbm>>
      tpu.wait_dma2 semaphore(%run_scoped3A : memref<!tpu.dma_semaphore, #tpu.memory_space<semaphore_mem>>) src(%dma_wait3A_12 : memref<256x16xi32, #tpu.memory_space<hbm>>) dst(%arg6 : memref<256x16xi32, #tpu.memory_space<vmem>>)
      tpu.yield
    }) : () -> ()
    "tpu.region"() ({
      %run_scoped3A = tpu.sem_alloc : memref<!tpu.dma_semaphore, #tpu.memory_space<semaphore_mem>>
      %dma_start3A = arith.constant 0 : i32
      %dma_start3A_7 = tpu.memref_slice %arg3[%mul3A_2, %dma_start3A] : memref<8192x16xf32, #tpu.memory_space<hbm>> -> memref<256x16xf32, #tpu.memory_space<hbm>>
      %dma_start3A_8 = arith.constant 0 : i32
      %dma_start3A_9 = tpu.memref_slice %arg3[%mul3A_2, %dma_start3A_8] : memref<8192x16xf32, #tpu.memory_space<hbm>> -> memref<256x16xf32, #tpu.memory_space<hbm>>
      tpu.enqueue_dma source(%dma_start3A_9 : memref<256x16xf32, #tpu.memory_space<hbm>>) target(%arg7 : memref<256x16xf32, #tpu.memory_space<vmem>>) target_semaphore(%run_scoped3A : memref<!tpu.dma_semaphore, #tpu.memory_space<semaphore_mem>>)
      %dma_wait3A = arith.constant 0 : i32
      %dma_wait3A_10 = tpu.memref_slice %arg3[%mul3A_2, %dma_wait3A] : memref<8192x16xf32, #tpu.memory_space<hbm>> -> memref<256x16xf32, #tpu.memory_space<hbm>>
      %dma_wait3A_11 = arith.constant 0 : i32
      %dma_wait3A_12 = tpu.memref_slice %arg3[%mul3A_2, %dma_wait3A_11] : memref<8192x16xf32, #tpu.memory_space<hbm>> -> memref<256x16xf32, #tpu.memory_space<hbm>>
      tpu.wait_dma2 semaphore(%run_scoped3A : memref<!tpu.dma_semaphore, #tpu.memory_space<semaphore_mem>>) src(%dma_wait3A_12 : memref<256x16xf32, #tpu.memory_space<hbm>>) dst(%arg7 : memref<256x16xf32, #tpu.memory_space<vmem>>)
      tpu.yield
    }) : () -> ()
    %scan3A = arith.constant 0 : i32
    %scan3A_3 = arith.constant 256 : i32
    %scan3A_4 = arith.addi %scan3A, %scan3A_3 : i32
    %scan3A_5 = arith.constant 1 : i32
    scf.for %scan3A_7 = %scan3A to %scan3A_4 step %scan3A_5  : i32 {
      %mul3A_8 = arith.constant 1 : i32
      %mul3A_9 = arith.muli %scan3A_7, %mul3A_8 : i32
      %add3A_10 = arith.constant 0 : i32
      %add3A_11 = arith.addi %add3A_10, %mul3A_9 : i32
      %get3A = arith.index_cast %add3A_11 : i32 to index
      %get3A_12 = arith.constant 0 : index
      %get3A_13 = tpu.vector_load %arg6[%get3A, %get3A_12] {strides = array<i32>} : memref<256x16xi32, #tpu.memory_space<vmem>>, vector<16xi32>,
      %get3A_14 = arith.index_cast %add3A_11 : i32 to index
      %get3A_15 = arith.constant 0 : index
      %get3A_16 = tpu.vector_load %arg7[%get3A_14, %get3A_15] {strides = array<i32>} : memref<256x16xf32, #tpu.memory_space<vmem>>, vector<16xf32>,
      %masked_sort3A = arith.constant dense<true> : vector<16xi1>
      %masked_sort3A_17 = arith.constant -2147483648 : i32
      %masked_sort3A_18 = vector.broadcast %masked_sort3A_17 : i32 to vector<16xi32>
      %masked_sort3A_19 = arith.xori %get3A_13, %masked_sort3A_18 : vector<16xi32>
      %masked_sort3A_20, %masked_sort3A_21, %masked_sort3A_22 = tpu.sort %masked_sort3A_19, %get3A_16 masked %masked_sort3A : (vector<16xi32>, vector<16xf32>, vector<16xi1>) -> (vector<16xi1>, vector<16xi32>, vector<16xf32>)
      %masked_sort3A_23 = arith.xori %masked_sort3A_21, %masked_sort3A_18 : vector<16xi32>
      %swap3A = arith.index_cast %add3A_11 : i32 to index
      %swap3A_24 = arith.constant 0 : index
      %swap3A_25 = tpu.vector_load %arg6[%swap3A, %swap3A_24] {strides = array<i32>} : memref<256x16xi32, #tpu.memory_space<vmem>>, vector<16xi32>,
      tpu.vector_store %arg6[%swap3A, %swap3A_24], %masked_sort3A_23 {strides = array<i32>} : memref<256x16xi32, #tpu.memory_space<vmem>>, vector<16xi32>,
      %swap3A_26 = arith.index_cast %add3A_11 : i32 to index
      %swap3A_27 = arith.constant 0 : index
      %swap3A_28 = tpu.vector_load %arg7[%swap3A_26, %swap3A_27] {strides = array<i32>} : memref<256x16xf32, #tpu.memory_space<vmem>>, vector<16xf32>,
      tpu.vector_store %arg7[%swap3A_26, %swap3A_27], %masked_sort3A_22 {strides = array<i32>} : memref<256x16xf32, #tpu.memory_space<vmem>>, vector<16xf32>,
    }
    %scan3A_6 = arith.constant 256 : i32
    "tpu.region"() ({
      %run_scoped3A = tpu.sem_alloc : memref<!tpu.dma_semaphore, #tpu.memory_space<semaphore_mem>>
      %dma_start3A = arith.constant 0 : i32
      %dma_start3A_7 = tpu.memref_slice %arg4[%mul3A_2, %dma_start3A] : memref<8192x16xi32, #tpu.memory_space<hbm>> -> memref<256x16xi32, #tpu.memory_space<hbm>>
      %dma_start3A_8 = arith.constant 0 : i32
      %dma_start3A_9 = tpu.memref_slice %arg4[%mul3A_2, %dma_start3A_8] : memref<8192x16xi32, #tpu.memory_space<hbm>> -> memref<256x16xi32, #tpu.memory_space<hbm>>
      tpu.enqueue_dma source(%arg6 : memref<256x16xi32, #tpu.memory_space<vmem>>) target(%dma_start3A_9 : memref<256x16xi32, #tpu.memory_space<hbm>>) target_semaphore(%run_scoped3A : memref<!tpu.dma_semaphore, #tpu.memory_space<semaphore_mem>>)
      %dma_wait3A = arith.constant 0 : i32
      %dma_wait3A_10 = tpu.memref_slice %arg4[%mul3A_2, %dma_wait3A] : memref<8192x16xi32, #tpu.memory_space<hbm>> -> memref<256x16xi32, #tpu.memory_space<hbm>>
      %dma_wait3A_11 = arith.constant 0 : i32
      %dma_wait3A_12 = tpu.memref_slice %arg4[%mul3A_2, %dma_wait3A_11] : memref<8192x16xi32, #tpu.memory_space<hbm>> -> memref<256x16xi32, #tpu.memory_space<hbm>>
      tpu.wait_dma2 semaphore(%run_scoped3A : memref<!tpu.dma_semaphore, #tpu.memory_space<semaphore_mem>>) src(%arg6 : memref<256x16xi32, #tpu.memory_space<vmem>>) dst(%dma_wait3A_12 : memref<256x16xi32, #tpu.memory_space<hbm>>)
      tpu.yield
    }) : () -> ()
    "tpu.region"() ({
      %run_scoped3A = tpu.sem_alloc : memref<!tpu.dma_semaphore, #tpu.memory_space<semaphore_mem>>
      %dma_start3A = arith.constant 0 : i32
      %dma_start3A_7 = tpu.memref_slice %arg5[%mul3A_2, %dma_start3A] : memref<8192x16xf32, #tpu.memory_space<hbm>> -> memref<256x16xf32, #tpu.memory_space<hbm>>
      %dma_start3A_8 = arith.constant 0 : i32
      %dma_start3A_9 = tpu.memref_slice %arg5[%mul3A_2, %dma_start3A_8] : memref<8192x16xf32, #tpu.memory_space<hbm>> -> memref<256x16xf32, #tpu.memory_space<hbm>>
      tpu.enqueue_dma source(%arg7 : memref<256x16xf32, #tpu.memory_space<vmem>>) target(%dma_start3A_9 : memref<256x16xf32, #tpu.memory_space<hbm>>) target_semaphore(%run_scoped3A : memref<!tpu.dma_semaphore, #tpu.memory_space<semaphore_mem>>)
      %dma_wait3A = arith.constant 0 : i32
      %dma_wait3A_10 = tpu.memref_slice %arg5[%mul3A_2, %dma_wait3A] : memref<8192x16xf32, #tpu.memory_space<hbm>> -> memref<256x16xf32, #tpu.memory_space<hbm>>
      %dma_wait3A_11 = arith.constant 0 : i32
      %dma_wait3A_12 = tpu.memref_slice %arg5[%mul3A_2, %dma_wait3A_11] : memref<8192x16xf32, #tpu.memory_space<hbm>> -> memref<256x16xf32, #tpu.memory_space<hbm>>
      tpu.wait_dma2 semaphore(%run_scoped3A : memref<!tpu.dma_semaphore, #tpu.memory_space<semaphore_mem>>) src(%arg7 : memref<256x16xf32, #tpu.memory_space<vmem>>) dst(%dma_wait3A_12 : memref<256x16xf32, #tpu.memory_space<hbm>>)
      tpu.yield
    }) : () -> ()
    return
  }
}

module attributes {stable_mosaic.version = 14 : i64} {
  func.func @_embed_body(%arg0: i32, %arg1: memref<512x25xf32, #tpu.memory_space<vmem>>, %arg2: memref<7x8xbf16, #tpu.memory_space<vmem>>, %arg3: memref<1x152xf32, #tpu.memory_space<vmem>>, %arg4: memref<1x152xf32, #tpu.memory_space<vmem>>, %arg5: memref<1x152xf32, #tpu.memory_space<vmem>>, %arg6: memref<1x152xf32, #tpu.memory_space<vmem>>, %arg7: memref<1x152xf32, #tpu.memory_space<vmem>>, %arg8: memref<40x16xbf16, #tpu.memory_space<vmem>>, %arg9: memref<1x240xf32, #tpu.memory_space<vmem>>, %arg10: memref<1x240xf32, #tpu.memory_space<vmem>>, %arg11: memref<1x240xf32, #tpu.memory_space<vmem>>, %arg12: memref<1x240xf32, #tpu.memory_space<vmem>>, %arg13: memref<1x240xf32, #tpu.memory_space<vmem>>, %arg14: memref<80x32xbf16, #tpu.memory_space<vmem>>, %arg15: memref<1x352xf32, #tpu.memory_space<vmem>>, %arg16: memref<1x352xf32, #tpu.memory_space<vmem>>, %arg17: memref<1x352xf32, #tpu.memory_space<vmem>>, %arg18: memref<1x352xf32, #tpu.memory_space<vmem>>, %arg19: memref<1x352xf32, #tpu.memory_space<vmem>>, %arg20: memref<352x64xbf16, #tpu.memory_space<vmem>>, %arg21: memref<1x64xf32, #tpu.memory_space<vmem>>, %arg22: memref<512x64xf32, #tpu.memory_space<vmem>>) attributes {dimension_semantics = [#tpu.dimension_semantics<arbitrary>], iteration_bounds = array<i64: 16>, scalar_prefetch = 0 : i64, scratch_operands = 0 : i64, tpu.core_type = #tpu.core_type<tc>, window_params = [{transform_indices = @transform_0, window_bounds = array<i64: 512, 25>}, {pipeline_mode = #tpu.pipeline_mode<synchronous>, transform_indices = @transform_1, window_bounds = array<i64: 7, 8>}, {pipeline_mode = #tpu.pipeline_mode<synchronous>, transform_indices = @transform_2, window_bounds = array<i64: 1, 152>}, {pipeline_mode = #tpu.pipeline_mode<synchronous>, transform_indices = @transform_3, window_bounds = array<i64: 1, 152>}, {pipeline_mode = #tpu.pipeline_mode<synchronous>, transform_indices = @transform_4, window_bounds = array<i64: 1, 152>}, {pipeline_mode = #tpu.pipeline_mode<synchronous>, transform_indices = @transform_5, window_bounds = array<i64: 1, 152>}, {pipeline_mode = #tpu.pipeline_mode<synchronous>, transform_indices = @transform_6, window_bounds = array<i64: 1, 152>}, {pipeline_mode = #tpu.pipeline_mode<synchronous>, transform_indices = @transform_7, window_bounds = array<i64: 40, 16>}, {pipeline_mode = #tpu.pipeline_mode<synchronous>, transform_indices = @transform_8, window_bounds = array<i64: 1, 240>}, {pipeline_mode = #tpu.pipeline_mode<synchronous>, transform_indices = @transform_9, window_bounds = array<i64: 1, 240>}, {pipeline_mode = #tpu.pipeline_mode<synchronous>, transform_indices = @transform_10, window_bounds = array<i64: 1, 240>}, {pipeline_mode = #tpu.pipeline_mode<synchronous>, transform_indices = @transform_11, window_bounds = array<i64: 1, 240>}, {pipeline_mode = #tpu.pipeline_mode<synchronous>, transform_indices = @transform_12, window_bounds = array<i64: 1, 240>}, {pipeline_mode = #tpu.pipeline_mode<synchronous>, transform_indices = @transform_13, window_bounds = array<i64: 80, 32>}, {pipeline_mode = #tpu.pipeline_mode<synchronous>, transform_indices = @transform_14, window_bounds = array<i64: 1, 352>}, {pipeline_mode = #tpu.pipeline_mode<synchronous>, transform_indices = @transform_15, window_bounds = array<i64: 1, 352>}, {pipeline_mode = #tpu.pipeline_mode<synchronous>, transform_indices = @transform_16, window_bounds = array<i64: 1, 352>}, {pipeline_mode = #tpu.pipeline_mode<synchronous>, transform_indices = @transform_17, window_bounds = array<i64: 1, 352>}, {pipeline_mode = #tpu.pipeline_mode<synchronous>, transform_indices = @transform_18, window_bounds = array<i64: 1, 352>}, {pipeline_mode = #tpu.pipeline_mode<synchronous>, transform_indices = @transform_19, window_bounds = array<i64: 352, 64>}, {pipeline_mode = #tpu.pipeline_mode<synchronous>, transform_indices = @transform_20, window_bounds = array<i64: 1, 64>}, {transform_indices = @transform_21, window_bounds = array<i64: 512, 64>}]} {
    %get3A = arith.constant 0 : index
    %get3A_0 = arith.constant 0 : index
    %get3A_1 = vector.load %arg1[%get3A, %get3A_0] : memref<512x25xf32, #tpu.memory_space<vmem>>, vector<512x25xf32>
    %slice3A = vector.extract_strided_slice %get3A_1 {offsets = [0, 0], sizes = [512, 7], strides = [1, 1]} : vector<512x25xf32> to vector<512x7xf32>
    %convert_element_type3A = arith.truncf %slice3A : vector<512x7xf32> to vector<512x7xbf16>
    %get3A_2 = arith.constant 0 : index
    %get3A_3 = arith.constant 0 : index
    %get3A_4 = vector.load %arg2[%get3A_2, %get3A_3] : memref<7x8xbf16, #tpu.memory_space<vmem>>, vector<7x8xbf16>
    %dot_general3A = arith.constant dense<0.000000e+00> : vector<512x8xf32>
    %dot_general3A_5 = tpu.matmul %convert_element_type3A, %get3A_4, %dot_general3A {dimension_numbers = #tpu.dot_dimension_numbers<[1], [0], [0], [1], [0, 0, 1, 1], [], []>, transpose_lhs_hint = false} : vector<512x7xbf16>, vector<7x8xbf16>, vector<512x8xf32> -> vector<512x8xf32>
    %slice3A_6 = vector.extract_strided_slice %get3A_1 {offsets = [0, 1], sizes = [512, 7], strides = [1, 1]} : vector<512x25xf32> to vector<512x7xf32>
    %convert_element_type3A_7 = arith.truncf %slice3A_6 : vector<512x7xf32> to vector<512x7xbf16>
    %get3A_8 = arith.constant 0 : index
    %get3A_9 = arith.constant 0 : index
    %get3A_10 = vector.load %arg2[%get3A_8, %get3A_9] : memref<7x8xbf16, #tpu.memory_space<vmem>>, vector<7x8xbf16>
    %dot_general3A_11 = arith.constant dense<0.000000e+00> : vector<512x8xf32>
    %dot_general3A_12 = tpu.matmul %convert_element_type3A_7, %get3A_10, %dot_general3A_11 {dimension_numbers = #tpu.dot_dimension_numbers<[1], [0], [0], [1], [0, 0, 1, 1], [], []>, transpose_lhs_hint = false} : vector<512x7xbf16>, vector<7x8xbf16>, vector<512x8xf32> -> vector<512x8xf32>
    %slice3A_13 = vector.extract_strided_slice %get3A_1 {offsets = [0, 2], sizes = [512, 7], strides = [1, 1]} : vector<512x25xf32> to vector<512x7xf32>
    %convert_element_type3A_14 = arith.truncf %slice3A_13 : vector<512x7xf32> to vector<512x7xbf16>
    %get3A_15 = arith.constant 0 : index
    %get3A_16 = arith.constant 0 : index
    %get3A_17 = vector.load %arg2[%get3A_15, %get3A_16] : memref<7x8xbf16, #tpu.memory_space<vmem>>, vector<7x8xbf16>
    %dot_general3A_18 = arith.constant dense<0.000000e+00> : vector<512x8xf32>
    %dot_general3A_19 = tpu.matmul %convert_element_type3A_14, %get3A_17, %dot_general3A_18 {dimension_numbers = #tpu.dot_dimension_numbers<[1], [0], [0], [1], [0, 0, 1, 1], [], []>, transpose_lhs_hint = false} : vector<512x7xbf16>, vector<7x8xbf16>, vector<512x8xf32> -> vector<512x8xf32>
    %slice3A_20 = vector.extract_strided_slice %get3A_1 {offsets = [0, 3], sizes = [512, 7], strides = [1, 1]} : vector<512x25xf32> to vector<512x7xf32>
    %convert_element_type3A_21 = arith.truncf %slice3A_20 : vector<512x7xf32> to vector<512x7xbf16>
    %get3A_22 = arith.constant 0 : index
    %get3A_23 = arith.constant 0 : index
    %get3A_24 = vector.load %arg2[%get3A_22, %get3A_23] : memref<7x8xbf16, #tpu.memory_space<vmem>>, vector<7x8xbf16>
    %dot_general3A_25 = arith.constant dense<0.000000e+00> : vector<512x8xf32>
    %dot_general3A_26 = tpu.matmul %convert_element_type3A_21, %get3A_24, %dot_general3A_25 {dimension_numbers = #tpu.dot_dimension_numbers<[1], [0], [0], [1], [0, 0, 1, 1], [], []>, transpose_lhs_hint = false} : vector<512x7xbf16>, vector<7x8xbf16>, vector<512x8xf32> -> vector<512x8xf32>
    %slice3A_27 = vector.extract_strided_slice %get3A_1 {offsets = [0, 4], sizes = [512, 7], strides = [1, 1]} : vector<512x25xf32> to vector<512x7xf32>
    %convert_element_type3A_28 = arith.truncf %slice3A_27 : vector<512x7xf32> to vector<512x7xbf16>
    %get3A_29 = arith.constant 0 : index
    %get3A_30 = arith.constant 0 : index
    %get3A_31 = vector.load %arg2[%get3A_29, %get3A_30] : memref<7x8xbf16, #tpu.memory_space<vmem>>, vector<7x8xbf16>
    %dot_general3A_32 = arith.constant dense<0.000000e+00> : vector<512x8xf32>
    %dot_general3A_33 = tpu.matmul %convert_element_type3A_28, %get3A_31, %dot_general3A_32 {dimension_numbers = #tpu.dot_dimension_numbers<[1], [0], [0], [1], [0, 0, 1, 1], [], []>, transpose_lhs_hint = false} : vector<512x7xbf16>, vector<7x8xbf16>, vector<512x8xf32> -> vector<512x8xf32>
    %slice3A_34 = vector.extract_strided_slice %get3A_1 {offsets = [0, 5], sizes = [512, 7], strides = [1, 1]} : vector<512x25xf32> to vector<512x7xf32>
    %convert_element_type3A_35 = arith.truncf %slice3A_34 : vector<512x7xf32> to vector<512x7xbf16>
    %get3A_36 = arith.constant 0 : index
    %get3A_37 = arith.constant 0 : index
    %get3A_38 = vector.load %arg2[%get3A_36, %get3A_37] : memref<7x8xbf16, #tpu.memory_space<vmem>>, vector<7x8xbf16>
    %dot_general3A_39 = arith.constant dense<0.000000e+00> : vector<512x8xf32>
    %dot_general3A_40 = tpu.matmul %convert_element_type3A_35, %get3A_38, %dot_general3A_39 {dimension_numbers = #tpu.dot_dimension_numbers<[1], [0], [0], [1], [0, 0, 1, 1], [], []>, transpose_lhs_hint = false} : vector<512x7xbf16>, vector<7x8xbf16>, vector<512x8xf32> -> vector<512x8xf32>
    %slice3A_41 = vector.extract_strided_slice %get3A_1 {offsets = [0, 6], sizes = [512, 7], strides = [1, 1]} : vector<512x25xf32> to vector<512x7xf32>
    %convert_element_type3A_42 = arith.truncf %slice3A_41 : vector<512x7xf32> to vector<512x7xbf16>
    %get3A_43 = arith.constant 0 : index
    %get3A_44 = arith.constant 0 : index
    %get3A_45 = vector.load %arg2[%get3A_43, %get3A_44] : memref<7x8xbf16, #tpu.memory_space<vmem>>, vector<7x8xbf16>
    %dot_general3A_46 = arith.constant dense<0.000000e+00> : vector<512x8xf32>
    %dot_general3A_47 = tpu.matmul %convert_element_type3A_42, %get3A_45, %dot_general3A_46 {dimension_numbers = #tpu.dot_dimension_numbers<[1], [0], [0], [1], [0, 0, 1, 1], [], []>, transpose_lhs_hint = false} : vector<512x7xbf16>, vector<7x8xbf16>, vector<512x8xf32> -> vector<512x8xf32>
    %slice3A_48 = vector.extract_strided_slice %get3A_1 {offsets = [0, 7], sizes = [512, 7], strides = [1, 1]} : vector<512x25xf32> to vector<512x7xf32>
    %convert_element_type3A_49 = arith.truncf %slice3A_48 : vector<512x7xf32> to vector<512x7xbf16>
    %get3A_50 = arith.constant 0 : index
    %get3A_51 = arith.constant 0 : index
    %get3A_52 = vector.load %arg2[%get3A_50, %get3A_51] : memref<7x8xbf16, #tpu.memory_space<vmem>>, vector<7x8xbf16>
    %dot_general3A_53 = arith.constant dense<0.000000e+00> : vector<512x8xf32>
    %dot_general3A_54 = tpu.matmul %convert_element_type3A_49, %get3A_52, %dot_general3A_53 {dimension_numbers = #tpu.dot_dimension_numbers<[1], [0], [0], [1], [0, 0, 1, 1], [], []>, transpose_lhs_hint = false} : vector<512x7xbf16>, vector<7x8xbf16>, vector<512x8xf32> -> vector<512x8xf32>
    %slice3A_55 = vector.extract_strided_slice %get3A_1 {offsets = [0, 8], sizes = [512, 7], strides = [1, 1]} : vector<512x25xf32> to vector<512x7xf32>
    %convert_element_type3A_56 = arith.truncf %slice3A_55 : vector<512x7xf32> to vector<512x7xbf16>
    %get3A_57 = arith.constant 0 : index
    %get3A_58 = arith.constant 0 : index
    %get3A_59 = vector.load %arg2[%get3A_57, %get3A_58] : memref<7x8xbf16, #tpu.memory_space<vmem>>, vector<7x8xbf16>
    %dot_general3A_60 = arith.constant dense<0.000000e+00> : vector<512x8xf32>
    %dot_general3A_61 = tpu.matmul %convert_element_type3A_56, %get3A_59, %dot_general3A_60 {dimension_numbers = #tpu.dot_dimension_numbers<[1], [0], [0], [1], [0, 0, 1, 1], [], []>, transpose_lhs_hint = false} : vector<512x7xbf16>, vector<7x8xbf16>, vector<512x8xf32> -> vector<512x8xf32>
    %slice3A_62 = vector.extract_strided_slice %get3A_1 {offsets = [0, 9], sizes = [512, 7], strides = [1, 1]} : vector<512x25xf32> to vector<512x7xf32>
    %convert_element_type3A_63 = arith.truncf %slice3A_62 : vector<512x7xf32> to vector<512x7xbf16>
    %get3A_64 = arith.constant 0 : index
    %get3A_65 = arith.constant 0 : index
    %get3A_66 = vector.load %arg2[%get3A_64, %get3A_65] : memref<7x8xbf16, #tpu.memory_space<vmem>>, vector<7x8xbf16>
    %dot_general3A_67 = arith.constant dense<0.000000e+00> : vector<512x8xf32>
    %dot_general3A_68 = tpu.matmul %convert_element_type3A_63, %get3A_66, %dot_general3A_67 {dimension_numbers = #tpu.dot_dimension_numbers<[1], [0], [0], [1], [0, 0, 1, 1], [], []>, transpose_lhs_hint = false} : vector<512x7xbf16>, vector<7x8xbf16>, vector<512x8xf32> -> vector<512x8xf32>
    %slice3A_69 = vector.extract_strided_slice %get3A_1 {offsets = [0, 10], sizes = [512, 7], strides = [1, 1]} : vector<512x25xf32> to vector<512x7xf32>
    %convert_element_type3A_70 = arith.truncf %slice3A_69 : vector<512x7xf32> to vector<512x7xbf16>
    %get3A_71 = arith.constant 0 : index
    %get3A_72 = arith.constant 0 : index
    %get3A_73 = vector.load %arg2[%get3A_71, %get3A_72] : memref<7x8xbf16, #tpu.memory_space<vmem>>, vector<7x8xbf16>
    %dot_general3A_74 = arith.constant dense<0.000000e+00> : vector<512x8xf32>
    %dot_general3A_75 = tpu.matmul %convert_element_type3A_70, %get3A_73, %dot_general3A_74 {dimension_numbers = #tpu.dot_dimension_numbers<[1], [0], [0], [1], [0, 0, 1, 1], [], []>, transpose_lhs_hint = false} : vector<512x7xbf16>, vector<7x8xbf16>, vector<512x8xf32> -> vector<512x8xf32>
    %slice3A_76 = vector.extract_strided_slice %get3A_1 {offsets = [0, 11], sizes = [512, 7], strides = [1, 1]} : vector<512x25xf32> to vector<512x7xf32>
    %convert_element_type3A_77 = arith.truncf %slice3A_76 : vector<512x7xf32> to vector<512x7xbf16>
    %get3A_78 = arith.constant 0 : index
    %get3A_79 = arith.constant 0 : index
    %get3A_80 = vector.load %arg2[%get3A_78, %get3A_79] : memref<7x8xbf16, #tpu.memory_space<vmem>>, vector<7x8xbf16>
    %dot_general3A_81 = arith.constant dense<0.000000e+00> : vector<512x8xf32>
    %dot_general3A_82 = tpu.matmul %convert_element_type3A_77, %get3A_80, %dot_general3A_81 {dimension_numbers = #tpu.dot_dimension_numbers<[1], [0], [0], [1], [0, 0, 1, 1], [], []>, transpose_lhs_hint = false} : vector<512x7xbf16>, vector<7x8xbf16>, vector<512x8xf32> -> vector<512x8xf32>
    %slice3A_83 = vector.extract_strided_slice %get3A_1 {offsets = [0, 12], sizes = [512, 7], strides = [1, 1]} : vector<512x25xf32> to vector<512x7xf32>
    %convert_element_type3A_84 = arith.truncf %slice3A_83 : vector<512x7xf32> to vector<512x7xbf16>
    %get3A_85 = arith.constant 0 : index
    %get3A_86 = arith.constant 0 : index
    %get3A_87 = vector.load %arg2[%get3A_85, %get3A_86] : memref<7x8xbf16, #tpu.memory_space<vmem>>, vector<7x8xbf16>
    %dot_general3A_88 = arith.constant dense<0.000000e+00> : vector<512x8xf32>
    %dot_general3A_89 = tpu.matmul %convert_element_type3A_84, %get3A_87, %dot_general3A_88 {dimension_numbers = #tpu.dot_dimension_numbers<[1], [0], [0], [1], [0, 0, 1, 1], [], []>, transpose_lhs_hint = false} : vector<512x7xbf16>, vector<7x8xbf16>, vector<512x8xf32> -> vector<512x8xf32>
    %slice3A_90 = vector.extract_strided_slice %get3A_1 {offsets = [0, 13], sizes = [512, 7], strides = [1, 1]} : vector<512x25xf32> to vector<512x7xf32>
    %convert_element_type3A_91 = arith.truncf %slice3A_90 : vector<512x7xf32> to vector<512x7xbf16>
    %get3A_92 = arith.constant 0 : index
    %get3A_93 = arith.constant 0 : index
    %get3A_94 = vector.load %arg2[%get3A_92, %get3A_93] : memref<7x8xbf16, #tpu.memory_space<vmem>>, vector<7x8xbf16>
    %dot_general3A_95 = arith.constant dense<0.000000e+00> : vector<512x8xf32>
    %dot_general3A_96 = tpu.matmul %convert_element_type3A_91, %get3A_94, %dot_general3A_95 {dimension_numbers = #tpu.dot_dimension_numbers<[1], [0], [0], [1], [0, 0, 1, 1], [], []>, transpose_lhs_hint = false} : vector<512x7xbf16>, vector<7x8xbf16>, vector<512x8xf32> -> vector<512x8xf32>
    %slice3A_97 = vector.extract_strided_slice %get3A_1 {offsets = [0, 14], sizes = [512, 7], strides = [1, 1]} : vector<512x25xf32> to vector<512x7xf32>
    %convert_element_type3A_98 = arith.truncf %slice3A_97 : vector<512x7xf32> to vector<512x7xbf16>
    %get3A_99 = arith.constant 0 : index
    %get3A_100 = arith.constant 0 : index
    %get3A_101 = vector.load %arg2[%get3A_99, %get3A_100] : memref<7x8xbf16, #tpu.memory_space<vmem>>, vector<7x8xbf16>
    %dot_general3A_102 = arith.constant dense<0.000000e+00> : vector<512x8xf32>
    %dot_general3A_103 = tpu.matmul %convert_element_type3A_98, %get3A_101, %dot_general3A_102 {dimension_numbers = #tpu.dot_dimension_numbers<[1], [0], [0], [1], [0, 0, 1, 1], [], []>, transpose_lhs_hint = false} : vector<512x7xbf16>, vector<7x8xbf16>, vector<512x8xf32> -> vector<512x8xf32>
    %slice3A_104 = vector.extract_strided_slice %get3A_1 {offsets = [0, 15], sizes = [512, 7], strides = [1, 1]} : vector<512x25xf32> to vector<512x7xf32>
    %convert_element_type3A_105 = arith.truncf %slice3A_104 : vector<512x7xf32> to vector<512x7xbf16>
    %get3A_106 = arith.constant 0 : index
    %get3A_107 = arith.constant 0 : index
    %get3A_108 = vector.load %arg2[%get3A_106, %get3A_107] : memref<7x8xbf16, #tpu.memory_space<vmem>>, vector<7x8xbf16>
    %dot_general3A_109 = arith.constant dense<0.000000e+00> : vector<512x8xf32>
    %dot_general3A_110 = tpu.matmul %convert_element_type3A_105, %get3A_108, %dot_general3A_109 {dimension_numbers = #tpu.dot_dimension_numbers<[1], [0], [0], [1], [0, 0, 1, 1], [], []>, transpose_lhs_hint = false} : vector<512x7xbf16>, vector<7x8xbf16>, vector<512x8xf32> -> vector<512x8xf32>
    %slice3A_111 = vector.extract_strided_slice %get3A_1 {offsets = [0, 16], sizes = [512, 7], strides = [1, 1]} : vector<512x25xf32> to vector<512x7xf32>
    %convert_element_type3A_112 = arith.truncf %slice3A_111 : vector<512x7xf32> to vector<512x7xbf16>
    %get3A_113 = arith.constant 0 : index
    %get3A_114 = arith.constant 0 : index
    %get3A_115 = vector.load %arg2[%get3A_113, %get3A_114] : memref<7x8xbf16, #tpu.memory_space<vmem>>, vector<7x8xbf16>
    %dot_general3A_116 = arith.constant dense<0.000000e+00> : vector<512x8xf32>
    %dot_general3A_117 = tpu.matmul %convert_element_type3A_112, %get3A_115, %dot_general3A_116 {dimension_numbers = #tpu.dot_dimension_numbers<[1], [0], [0], [1], [0, 0, 1, 1], [], []>, transpose_lhs_hint = false} : vector<512x7xbf16>, vector<7x8xbf16>, vector<512x8xf32> -> vector<512x8xf32>
    %slice3A_118 = vector.extract_strided_slice %get3A_1 {offsets = [0, 17], sizes = [512, 7], strides = [1, 1]} : vector<512x25xf32> to vector<512x7xf32>
    %convert_element_type3A_119 = arith.truncf %slice3A_118 : vector<512x7xf32> to vector<512x7xbf16>
    %get3A_120 = arith.constant 0 : index
    %get3A_121 = arith.constant 0 : index
    %get3A_122 = vector.load %arg2[%get3A_120, %get3A_121] : memref<7x8xbf16, #tpu.memory_space<vmem>>, vector<7x8xbf16>
    %dot_general3A_123 = arith.constant dense<0.000000e+00> : vector<512x8xf32>
    %dot_general3A_124 = tpu.matmul %convert_element_type3A_119, %get3A_122, %dot_general3A_123 {dimension_numbers = #tpu.dot_dimension_numbers<[1], [0], [0], [1], [0, 0, 1, 1], [], []>, transpose_lhs_hint = false} : vector<512x7xbf16>, vector<7x8xbf16>, vector<512x8xf32> -> vector<512x8xf32>
    %slice3A_125 = vector.extract_strided_slice %get3A_1 {offsets = [0, 18], sizes = [512, 7], strides = [1, 1]} : vector<512x25xf32> to vector<512x7xf32>
    %convert_element_type3A_126 = arith.truncf %slice3A_125 : vector<512x7xf32> to vector<512x7xbf16>
    %get3A_127 = arith.constant 0 : index
    %get3A_128 = arith.constant 0 : index
    %get3A_129 = vector.load %arg2[%get3A_127, %get3A_128] : memref<7x8xbf16, #tpu.memory_space<vmem>>, vector<7x8xbf16>
    %dot_general3A_130 = arith.constant dense<0.000000e+00> : vector<512x8xf32>
    %dot_general3A_131 = tpu.matmul %convert_element_type3A_126, %get3A_129, %dot_general3A_130 {dimension_numbers = #tpu.dot_dimension_numbers<[1], [0], [0], [1], [0, 0, 1, 1], [], []>, transpose_lhs_hint = false} : vector<512x7xbf16>, vector<7x8xbf16>, vector<512x8xf32> -> vector<512x8xf32>
    %concatenate3A = tpu.concatenate %dot_general3A_5, %dot_general3A_12, %dot_general3A_19, %dot_general3A_26, %dot_general3A_33, %dot_general3A_40, %dot_general3A_47, %dot_general3A_54, %dot_general3A_61, %dot_general3A_68, %dot_general3A_75, %dot_general3A_82, %dot_general3A_89, %dot_general3A_96, %dot_general3A_103, %dot_general3A_110, %dot_general3A_117, %dot_general3A_124, %dot_general3A_131 in 1 : vector<512x8xf32>, vector<512x8xf32>, vector<512x8xf32>, vector<512x8xf32>, vector<512x8xf32>, vector<512x8xf32>, vector<512x8xf32>, vector<512x8xf32>, vector<512x8xf32>, vector<512x8xf32>, vector<512x8xf32>, vector<512x8xf32>, vector<512x8xf32>, vector<512x8xf32>, vector<512x8xf32>, vector<512x8xf32>, vector<512x8xf32>, vector<512x8xf32>, vector<512x8xf32> -> vector<512x152xf32>
    %get3A_132 = arith.constant 0 : index
    %get3A_133 = arith.constant 0 : index
    %get3A_134 = vector.load %arg3[%get3A_132, %get3A_133] : memref<1x152xf32, #tpu.memory_space<vmem>>, vector<1x152xf32>
    %add3A = vector.broadcast %get3A_134 : vector<1x152xf32> to vector<512x152xf32>
    %add3A_135 = arith.addf %concatenate3A, %add3A : vector<512x152xf32>
    %max3A = arith.constant 0.000000e+00 : f32
    %max3A_136 = vector.broadcast %max3A : f32 to vector<512x152xf32>
    %max3A_137 = arith.maximumf %add3A_135, %max3A_136 : vector<512x152xf32>
    %get3A_138 = arith.constant 0 : index
    %get3A_139 = arith.constant 0 : index
    %get3A_140 = vector.load %arg6[%get3A_138, %get3A_139] : memref<1x152xf32, #tpu.memory_space<vmem>>, vector<1x152xf32>
    %get3A_141 = arith.constant 0 : index
    %get3A_142 = arith.constant 0 : index
    %get3A_143 = vector.load %arg4[%get3A_141, %get3A_142] : memref<1x152xf32, #tpu.memory_space<vmem>>, vector<1x152xf32>
    %sub3A = vector.broadcast %get3A_143 : vector<1x152xf32> to vector<512x152xf32>
    %sub3A_144 = arith.subf %max3A_137, %sub3A : vector<512x152xf32>
    %mul3A = vector.broadcast %get3A_140 : vector<1x152xf32> to vector<512x152xf32>
    %mul3A_145 = arith.mulf %mul3A, %sub3A_144 : vector<512x152xf32>
    %get3A_146 = arith.constant 0 : index
    %get3A_147 = arith.constant 0 : index
    %get3A_148 = vector.load %arg5[%get3A_146, %get3A_147] : memref<1x152xf32, #tpu.memory_space<vmem>>, vector<1x152xf32>
    %div3A = vector.broadcast %get3A_148 : vector<1x152xf32> to vector<512x152xf32>
    %div3A_149 = arith.divf %mul3A_145, %div3A : vector<512x152xf32>
    %get3A_150 = arith.constant 0 : index
    %get3A_151 = arith.constant 0 : index
    %get3A_152 = vector.load %arg7[%get3A_150, %get3A_151] : memref<1x152xf32, #tpu.memory_space<vmem>>, vector<1x152xf32>
    %add3A_153 = vector.broadcast %get3A_152 : vector<1x152xf32> to vector<512x152xf32>
    %add3A_154 = arith.addf %div3A_149, %add3A_153 : vector<512x152xf32>
    %slice3A_155 = vector.extract_strided_slice %add3A_154 {offsets = [0, 0], sizes = [512, 40], strides = [1, 1]} : vector<512x152xf32> to vector<512x40xf32>
    %convert_element_type3A_156 = arith.truncf %slice3A_155 : vector<512x40xf32> to vector<512x40xbf16>
    %get3A_157 = arith.constant 0 : index
    %get3A_158 = arith.constant 0 : index
    %get3A_159 = vector.load %arg8[%get3A_157, %get3A_158] : memref<40x16xbf16, #tpu.memory_space<vmem>>, vector<40x16xbf16>
    %dot_general3A_160 = arith.constant dense<0.000000e+00> : vector<512x16xf32>
    %dot_general3A_161 = tpu.matmul %convert_element_type3A_156, %get3A_159, %dot_general3A_160 {dimension_numbers = #tpu.dot_dimension_numbers<[1], [0], [0], [1], [0, 0, 1, 1], [], []>, transpose_lhs_hint = false} : vector<512x40xbf16>, vector<40x16xbf16>, vector<512x16xf32> -> vector<512x16xf32>
    %slice3A_162 = vector.extract_strided_slice %add3A_154 {offsets = [0, 8], sizes = [512, 40], strides = [1, 1]} : vector<512x152xf32> to vector<512x40xf32>
    %convert_element_type3A_163 = arith.truncf %slice3A_162 : vector<512x40xf32> to vector<512x40xbf16>
    %get3A_164 = arith.constant 0 : index
    %get3A_165 = arith.constant 0 : index
    %get3A_166 = vector.load %arg8[%get3A_164, %get3A_165] : memref<40x16xbf16, #tpu.memory_space<vmem>>, vector<40x16xbf16>
    %dot_general3A_167 = arith.constant dense<0.000000e+00> : vector<512x16xf32>
    %dot_general3A_168 = tpu.matmul %convert_element_type3A_163, %get3A_166, %dot_general3A_167 {dimension_numbers = #tpu.dot_dimension_numbers<[1], [0], [0], [1], [0, 0, 1, 1], [], []>, transpose_lhs_hint = false} : vector<512x40xbf16>, vector<40x16xbf16>, vector<512x16xf32> -> vector<512x16xf32>
    %slice3A_169 = vector.extract_strided_slice %add3A_154 {offsets = [0, 16], sizes = [512, 40], strides = [1, 1]} : vector<512x152xf32> to vector<512x40xf32>
    %convert_element_type3A_170 = arith.truncf %slice3A_169 : vector<512x40xf32> to vector<512x40xbf16>
    %get3A_171 = arith.constant 0 : index
    %get3A_172 = arith.constant 0 : index
    %get3A_173 = vector.load %arg8[%get3A_171, %get3A_172] : memref<40x16xbf16, #tpu.memory_space<vmem>>, vector<40x16xbf16>
    %dot_general3A_174 = arith.constant dense<0.000000e+00> : vector<512x16xf32>
    %dot_general3A_175 = tpu.matmul %convert_element_type3A_170, %get3A_173, %dot_general3A_174 {dimension_numbers = #tpu.dot_dimension_numbers<[1], [0], [0], [1], [0, 0, 1, 1], [], []>, transpose_lhs_hint = false} : vector<512x40xbf16>, vector<40x16xbf16>, vector<512x16xf32> -> vector<512x16xf32>
    %slice3A_176 = vector.extract_strided_slice %add3A_154 {offsets = [0, 24], sizes = [512, 40], strides = [1, 1]} : vector<512x152xf32> to vector<512x40xf32>
    %convert_element_type3A_177 = arith.truncf %slice3A_176 : vector<512x40xf32> to vector<512x40xbf16>
    %get3A_178 = arith.constant 0 : index
    %get3A_179 = arith.constant 0 : index
    %get3A_180 = vector.load %arg8[%get3A_178, %get3A_179] : memref<40x16xbf16, #tpu.memory_space<vmem>>, vector<40x16xbf16>
    %dot_general3A_181 = arith.constant dense<0.000000e+00> : vector<512x16xf32>
    %dot_general3A_182 = tpu.matmul %convert_element_type3A_177, %get3A_180, %dot_general3A_181 {dimension_numbers = #tpu.dot_dimension_numbers<[1], [0], [0], [1], [0, 0, 1, 1], [], []>, transpose_lhs_hint = false} : vector<512x40xbf16>, vector<40x16xbf16>, vector<512x16xf32> -> vector<512x16xf32>
    %slice3A_183 = vector.extract_strided_slice %add3A_154 {offsets = [0, 32], sizes = [512, 40], strides = [1, 1]} : vector<512x152xf32> to vector<512x40xf32>
    %convert_element_type3A_184 = arith.truncf %slice3A_183 : vector<512x40xf32> to vector<512x40xbf16>
    %get3A_185 = arith.constant 0 : index
    %get3A_186 = arith.constant 0 : index
    %get3A_187 = vector.load %arg8[%get3A_185, %get3A_186] : memref<40x16xbf16, #tpu.memory_space<vmem>>, vector<40x16xbf16>
    %dot_general3A_188 = arith.constant dense<0.000000e+00> : vector<512x16xf32>
    %dot_general3A_189 = tpu.matmul %convert_element_type3A_184, %get3A_187, %dot_general3A_188 {dimension_numbers = #tpu.dot_dimension_numbers<[1], [0], [0], [1], [0, 0, 1, 1], [], []>, transpose_lhs_hint = false} : vector<512x40xbf16>, vector<40x16xbf16>, vector<512x16xf32> -> vector<512x16xf32>
    %slice3A_190 = vector.extract_strided_slice %add3A_154 {offsets = [0, 40], sizes = [512, 40], strides = [1, 1]} : vector<512x152xf32> to vector<512x40xf32>
    %convert_element_type3A_191 = arith.truncf %slice3A_190 : vector<512x40xf32> to vector<512x40xbf16>
    %get3A_192 = arith.constant 0 : index
    %get3A_193 = arith.constant 0 : index
    %get3A_194 = vector.load %arg8[%get3A_192, %get3A_193] : memref<40x16xbf16, #tpu.memory_space<vmem>>, vector<40x16xbf16>
    %dot_general3A_195 = arith.constant dense<0.000000e+00> : vector<512x16xf32>
    %dot_general3A_196 = tpu.matmul %convert_element_type3A_191, %get3A_194, %dot_general3A_195 {dimension_numbers = #tpu.dot_dimension_numbers<[1], [0], [0], [1], [0, 0, 1, 1], [], []>, transpose_lhs_hint = false} : vector<512x40xbf16>, vector<40x16xbf16>, vector<512x16xf32> -> vector<512x16xf32>
    %slice3A_197 = vector.extract_strided_slice %add3A_154 {offsets = [0, 48], sizes = [512, 40], strides = [1, 1]} : vector<512x152xf32> to vector<512x40xf32>
    %convert_element_type3A_198 = arith.truncf %slice3A_197 : vector<512x40xf32> to vector<512x40xbf16>
    %get3A_199 = arith.constant 0 : index
    %get3A_200 = arith.constant 0 : index
    %get3A_201 = vector.load %arg8[%get3A_199, %get3A_200] : memref<40x16xbf16, #tpu.memory_space<vmem>>, vector<40x16xbf16>
    %dot_general3A_202 = arith.constant dense<0.000000e+00> : vector<512x16xf32>
    %dot_general3A_203 = tpu.matmul %convert_element_type3A_198, %get3A_201, %dot_general3A_202 {dimension_numbers = #tpu.dot_dimension_numbers<[1], [0], [0], [1], [0, 0, 1, 1], [], []>, transpose_lhs_hint = false} : vector<512x40xbf16>, vector<40x16xbf16>, vector<512x16xf32> -> vector<512x16xf32>
    %slice3A_204 = vector.extract_strided_slice %add3A_154 {offsets = [0, 56], sizes = [512, 40], strides = [1, 1]} : vector<512x152xf32> to vector<512x40xf32>
    %convert_element_type3A_205 = arith.truncf %slice3A_204 : vector<512x40xf32> to vector<512x40xbf16>
    %get3A_206 = arith.constant 0 : index
    %get3A_207 = arith.constant 0 : index
    %get3A_208 = vector.load %arg8[%get3A_206, %get3A_207] : memref<40x16xbf16, #tpu.memory_space<vmem>>, vector<40x16xbf16>
    %dot_general3A_209 = arith.constant dense<0.000000e+00> : vector<512x16xf32>
    %dot_general3A_210 = tpu.matmul %convert_element_type3A_205, %get3A_208, %dot_general3A_209 {dimension_numbers = #tpu.dot_dimension_numbers<[1], [0], [0], [1], [0, 0, 1, 1], [], []>, transpose_lhs_hint = false} : vector<512x40xbf16>, vector<40x16xbf16>, vector<512x16xf32> -> vector<512x16xf32>
    %slice3A_211 = vector.extract_strided_slice %add3A_154 {offsets = [0, 64], sizes = [512, 40], strides = [1, 1]} : vector<512x152xf32> to vector<512x40xf32>
    %convert_element_type3A_212 = arith.truncf %slice3A_211 : vector<512x40xf32> to vector<512x40xbf16>
    %get3A_213 = arith.constant 0 : index
    %get3A_214 = arith.constant 0 : index
    %get3A_215 = vector.load %arg8[%get3A_213, %get3A_214] : memref<40x16xbf16, #tpu.memory_space<vmem>>, vector<40x16xbf16>
    %dot_general3A_216 = arith.constant dense<0.000000e+00> : vector<512x16xf32>
    %dot_general3A_217 = tpu.matmul %convert_element_type3A_212, %get3A_215, %dot_general3A_216 {dimension_numbers = #tpu.dot_dimension_numbers<[1], [0], [0], [1], [0, 0, 1, 1], [], []>, transpose_lhs_hint = false} : vector<512x40xbf16>, vector<40x16xbf16>, vector<512x16xf32> -> vector<512x16xf32>
    %slice3A_218 = vector.extract_strided_slice %add3A_154 {offsets = [0, 72], sizes = [512, 40], strides = [1, 1]} : vector<512x152xf32> to vector<512x40xf32>
    %convert_element_type3A_219 = arith.truncf %slice3A_218 : vector<512x40xf32> to vector<512x40xbf16>
    %get3A_220 = arith.constant 0 : index
    %get3A_221 = arith.constant 0 : index
    %get3A_222 = vector.load %arg8[%get3A_220, %get3A_221] : memref<40x16xbf16, #tpu.memory_space<vmem>>, vector<40x16xbf16>
    %dot_general3A_223 = arith.constant dense<0.000000e+00> : vector<512x16xf32>
    %dot_general3A_224 = tpu.matmul %convert_element_type3A_219, %get3A_222, %dot_general3A_223 {dimension_numbers = #tpu.dot_dimension_numbers<[1], [0], [0], [1], [0, 0, 1, 1], [], []>, transpose_lhs_hint = false} : vector<512x40xbf16>, vector<40x16xbf16>, vector<512x16xf32> -> vector<512x16xf32>
    %slice3A_225 = vector.extract_strided_slice %add3A_154 {offsets = [0, 80], sizes = [512, 40], strides = [1, 1]} : vector<512x152xf32> to vector<512x40xf32>
    %convert_element_type3A_226 = arith.truncf %slice3A_225 : vector<512x40xf32> to vector<512x40xbf16>
    %get3A_227 = arith.constant 0 : index
    %get3A_228 = arith.constant 0 : index
    %get3A_229 = vector.load %arg8[%get3A_227, %get3A_228] : memref<40x16xbf16, #tpu.memory_space<vmem>>, vector<40x16xbf16>
    %dot_general3A_230 = arith.constant dense<0.000000e+00> : vector<512x16xf32>
    %dot_general3A_231 = tpu.matmul %convert_element_type3A_226, %get3A_229, %dot_general3A_230 {dimension_numbers = #tpu.dot_dimension_numbers<[1], [0], [0], [1], [0, 0, 1, 1], [], []>, transpose_lhs_hint = false} : vector<512x40xbf16>, vector<40x16xbf16>, vector<512x16xf32> -> vector<512x16xf32>
    %slice3A_232 = vector.extract_strided_slice %add3A_154 {offsets = [0, 88], sizes = [512, 40], strides = [1, 1]} : vector<512x152xf32> to vector<512x40xf32>
    %convert_element_type3A_233 = arith.truncf %slice3A_232 : vector<512x40xf32> to vector<512x40xbf16>
    %get3A_234 = arith.constant 0 : index
    %get3A_235 = arith.constant 0 : index
    %get3A_236 = vector.load %arg8[%get3A_234, %get3A_235] : memref<40x16xbf16, #tpu.memory_space<vmem>>, vector<40x16xbf16>
    %dot_general3A_237 = arith.constant dense<0.000000e+00> : vector<512x16xf32>
    %dot_general3A_238 = tpu.matmul %convert_element_type3A_233, %get3A_236, %dot_general3A_237 {dimension_numbers = #tpu.dot_dimension_numbers<[1], [0], [0], [1], [0, 0, 1, 1], [], []>, transpose_lhs_hint = false} : vector<512x40xbf16>, vector<40x16xbf16>, vector<512x16xf32> -> vector<512x16xf32>
    %slice3A_239 = vector.extract_strided_slice %add3A_154 {offsets = [0, 96], sizes = [512, 40], strides = [1, 1]} : vector<512x152xf32> to vector<512x40xf32>
    %convert_element_type3A_240 = arith.truncf %slice3A_239 : vector<512x40xf32> to vector<512x40xbf16>
    %get3A_241 = arith.constant 0 : index
    %get3A_242 = arith.constant 0 : index
    %get3A_243 = vector.load %arg8[%get3A_241, %get3A_242] : memref<40x16xbf16, #tpu.memory_space<vmem>>, vector<40x16xbf16>
    %dot_general3A_244 = arith.constant dense<0.000000e+00> : vector<512x16xf32>
    %dot_general3A_245 = tpu.matmul %convert_element_type3A_240, %get3A_243, %dot_general3A_244 {dimension_numbers = #tpu.dot_dimension_numbers<[1], [0], [0], [1], [0, 0, 1, 1], [], []>, transpose_lhs_hint = false} : vector<512x40xbf16>, vector<40x16xbf16>, vector<512x16xf32> -> vector<512x16xf32>
    %slice3A_246 = vector.extract_strided_slice %add3A_154 {offsets = [0, 104], sizes = [512, 40], strides = [1, 1]} : vector<512x152xf32> to vector<512x40xf32>
    %convert_element_type3A_247 = arith.truncf %slice3A_246 : vector<512x40xf32> to vector<512x40xbf16>
    %get3A_248 = arith.constant 0 : index
    %get3A_249 = arith.constant 0 : index
    %get3A_250 = vector.load %arg8[%get3A_248, %get3A_249] : memref<40x16xbf16, #tpu.memory_space<vmem>>, vector<40x16xbf16>
    %dot_general3A_251 = arith.constant dense<0.000000e+00> : vector<512x16xf32>
    %dot_general3A_252 = tpu.matmul %convert_element_type3A_247, %get3A_250, %dot_general3A_251 {dimension_numbers = #tpu.dot_dimension_numbers<[1], [0], [0], [1], [0, 0, 1, 1], [], []>, transpose_lhs_hint = false} : vector<512x40xbf16>, vector<40x16xbf16>, vector<512x16xf32> -> vector<512x16xf32>
    %slice3A_253 = vector.extract_strided_slice %add3A_154 {offsets = [0, 112], sizes = [512, 40], strides = [1, 1]} : vector<512x152xf32> to vector<512x40xf32>
    %convert_element_type3A_254 = arith.truncf %slice3A_253 : vector<512x40xf32> to vector<512x40xbf16>
    %get3A_255 = arith.constant 0 : index
    %get3A_256 = arith.constant 0 : index
    %get3A_257 = vector.load %arg8[%get3A_255, %get3A_256] : memref<40x16xbf16, #tpu.memory_space<vmem>>, vector<40x16xbf16>
    %dot_general3A_258 = arith.constant dense<0.000000e+00> : vector<512x16xf32>
    %dot_general3A_259 = tpu.matmul %convert_element_type3A_254, %get3A_257, %dot_general3A_258 {dimension_numbers = #tpu.dot_dimension_numbers<[1], [0], [0], [1], [0, 0, 1, 1], [], []>, transpose_lhs_hint = false} : vector<512x40xbf16>, vector<40x16xbf16>, vector<512x16xf32> -> vector<512x16xf32>
    %concatenate3A_260 = tpu.concatenate %dot_general3A_161, %dot_general3A_168, %dot_general3A_175, %dot_general3A_182, %dot_general3A_189, %dot_general3A_196, %dot_general3A_203, %dot_general3A_210, %dot_general3A_217, %dot_general3A_224, %dot_general3A_231, %dot_general3A_238, %dot_general3A_245, %dot_general3A_252, %dot_general3A_259 in 1 : vector<512x16xf32>, vector<512x16xf32>, vector<512x16xf32>, vector<512x16xf32>, vector<512x16xf32>, vector<512x16xf32>, vector<512x16xf32>, vector<512x16xf32>, vector<512x16xf32>, vector<512x16xf32>, vector<512x16xf32>, vector<512x16xf32>, vector<512x16xf32>, vector<512x16xf32>, vector<512x16xf32> -> vector<512x240xf32>
    %get3A_261 = arith.constant 0 : index
    %get3A_262 = arith.constant 0 : index
    %get3A_263 = vector.load %arg9[%get3A_261, %get3A_262] : memref<1x240xf32, #tpu.memory_space<vmem>>, vector<1x240xf32>
    %add3A_264 = vector.broadcast %get3A_263 : vector<1x240xf32> to vector<512x240xf32>
    %add3A_265 = arith.addf %concatenate3A_260, %add3A_264 : vector<512x240xf32>
    %max3A_266 = arith.constant 0.000000e+00 : f32
    %max3A_267 = vector.broadcast %max3A_266 : f32 to vector<512x240xf32>
    %max3A_268 = arith.maximumf %add3A_265, %max3A_267 : vector<512x240xf32>
    %get3A_269 = arith.constant 0 : index
    %get3A_270 = arith.constant 0 : index
    %get3A_271 = vector.load %arg12[%get3A_269, %get3A_270] : memref<1x240xf32, #tpu.memory_space<vmem>>, vector<1x240xf32>
    %get3A_272 = arith.constant 0 : index
    %get3A_273 = arith.constant 0 : index
    %get3A_274 = vector.load %arg10[%get3A_272, %get3A_273] : memref<1x240xf32, #tpu.memory_space<vmem>>, vector<1x240xf32>
    %sub3A_275 = vector.broadcast %get3A_274 : vector<1x240xf32> to vector<512x240xf32>
    %sub3A_276 = arith.subf %max3A_268, %sub3A_275 : vector<512x240xf32>
    %mul3A_277 = vector.broadcast %get3A_271 : vector<1x240xf32> to vector<512x240xf32>
    %mul3A_278 = arith.mulf %mul3A_277, %sub3A_276 : vector<512x240xf32>
    %get3A_279 = arith.constant 0 : index
    %get3A_280 = arith.constant 0 : index
    %get3A_281 = vector.load %arg11[%get3A_279, %get3A_280] : memref<1x240xf32, #tpu.memory_space<vmem>>, vector<1x240xf32>
    %div3A_282 = vector.broadcast %get3A_281 : vector<1x240xf32> to vector<512x240xf32>
    %div3A_283 = arith.divf %mul3A_278, %div3A_282 : vector<512x240xf32>
    %get3A_284 = arith.constant 0 : index
    %get3A_285 = arith.constant 0 : index
    %get3A_286 = vector.load %arg13[%get3A_284, %get3A_285] : memref<1x240xf32, #tpu.memory_space<vmem>>, vector<1x240xf32>
    %add3A_287 = vector.broadcast %get3A_286 : vector<1x240xf32> to vector<512x240xf32>
    %add3A_288 = arith.addf %div3A_283, %add3A_287 : vector<512x240xf32>
    %slice3A_289 = vector.extract_strided_slice %add3A_288 {offsets = [0, 0], sizes = [512, 80], strides = [1, 1]} : vector<512x240xf32> to vector<512x80xf32>
    %convert_element_type3A_290 = arith.truncf %slice3A_289 : vector<512x80xf32> to vector<512x80xbf16>
    %get3A_291 = arith.constant 0 : index
    %get3A_292 = arith.constant 0 : index
    %get3A_293 = vector.load %arg14[%get3A_291, %get3A_292] : memref<80x32xbf16, #tpu.memory_space<vmem>>, vector<80x32xbf16>
    %dot_general3A_294 = arith.constant dense<0.000000e+00> : vector<512x32xf32>
    %dot_general3A_295 = tpu.matmul %convert_element_type3A_290, %get3A_293, %dot_general3A_294 {dimension_numbers = #tpu.dot_dimension_numbers<[1], [0], [0], [1], [0, 0, 1, 1], [], []>, transpose_lhs_hint = false} : vector<512x80xbf16>, vector<80x32xbf16>, vector<512x32xf32> -> vector<512x32xf32>
    %slice3A_296 = vector.extract_strided_slice %add3A_288 {offsets = [0, 16], sizes = [512, 80], strides = [1, 1]} : vector<512x240xf32> to vector<512x80xf32>
    %convert_element_type3A_297 = arith.truncf %slice3A_296 : vector<512x80xf32> to vector<512x80xbf16>
    %get3A_298 = arith.constant 0 : index
    %get3A_299 = arith.constant 0 : index
    %get3A_300 = vector.load %arg14[%get3A_298, %get3A_299] : memref<80x32xbf16, #tpu.memory_space<vmem>>, vector<80x32xbf16>
    %dot_general3A_301 = arith.constant dense<0.000000e+00> : vector<512x32xf32>
    %dot_general3A_302 = tpu.matmul %convert_element_type3A_297, %get3A_300, %dot_general3A_301 {dimension_numbers = #tpu.dot_dimension_numbers<[1], [0], [0], [1], [0, 0, 1, 1], [], []>, transpose_lhs_hint = false} : vector<512x80xbf16>, vector<80x32xbf16>, vector<512x32xf32> -> vector<512x32xf32>
    %slice3A_303 = vector.extract_strided_slice %add3A_288 {offsets = [0, 32], sizes = [512, 80], strides = [1, 1]} : vector<512x240xf32> to vector<512x80xf32>
    %convert_element_type3A_304 = arith.truncf %slice3A_303 : vector<512x80xf32> to vector<512x80xbf16>
    %get3A_305 = arith.constant 0 : index
    %get3A_306 = arith.constant 0 : index
    %get3A_307 = vector.load %arg14[%get3A_305, %get3A_306] : memref<80x32xbf16, #tpu.memory_space<vmem>>, vector<80x32xbf16>
    %dot_general3A_308 = arith.constant dense<0.000000e+00> : vector<512x32xf32>
    %dot_general3A_309 = tpu.matmul %convert_element_type3A_304, %get3A_307, %dot_general3A_308 {dimension_numbers = #tpu.dot_dimension_numbers<[1], [0], [0], [1], [0, 0, 1, 1], [], []>, transpose_lhs_hint = false} : vector<512x80xbf16>, vector<80x32xbf16>, vector<512x32xf32> -> vector<512x32xf32>
    %slice3A_310 = vector.extract_strided_slice %add3A_288 {offsets = [0, 48], sizes = [512, 80], strides = [1, 1]} : vector<512x240xf32> to vector<512x80xf32>
    %convert_element_type3A_311 = arith.truncf %slice3A_310 : vector<512x80xf32> to vector<512x80xbf16>
    %get3A_312 = arith.constant 0 : index
    %get3A_313 = arith.constant 0 : index
    %get3A_314 = vector.load %arg14[%get3A_312, %get3A_313] : memref<80x32xbf16, #tpu.memory_space<vmem>>, vector<80x32xbf16>
    %dot_general3A_315 = arith.constant dense<0.000000e+00> : vector<512x32xf32>
    %dot_general3A_316 = tpu.matmul %convert_element_type3A_311, %get3A_314, %dot_general3A_315 {dimension_numbers = #tpu.dot_dimension_numbers<[1], [0], [0], [1], [0, 0, 1, 1], [], []>, transpose_lhs_hint = false} : vector<512x80xbf16>, vector<80x32xbf16>, vector<512x32xf32> -> vector<512x32xf32>
    %slice3A_317 = vector.extract_strided_slice %add3A_288 {offsets = [0, 64], sizes = [512, 80], strides = [1, 1]} : vector<512x240xf32> to vector<512x80xf32>
    %convert_element_type3A_318 = arith.truncf %slice3A_317 : vector<512x80xf32> to vector<512x80xbf16>
    %get3A_319 = arith.constant 0 : index
    %get3A_320 = arith.constant 0 : index
    %get3A_321 = vector.load %arg14[%get3A_319, %get3A_320] : memref<80x32xbf16, #tpu.memory_space<vmem>>, vector<80x32xbf16>
    %dot_general3A_322 = arith.constant dense<0.000000e+00> : vector<512x32xf32>
    %dot_general3A_323 = tpu.matmul %convert_element_type3A_318, %get3A_321, %dot_general3A_322 {dimension_numbers = #tpu.dot_dimension_numbers<[1], [0], [0], [1], [0, 0, 1, 1], [], []>, transpose_lhs_hint = false} : vector<512x80xbf16>, vector<80x32xbf16>, vector<512x32xf32> -> vector<512x32xf32>
    %slice3A_324 = vector.extract_strided_slice %add3A_288 {offsets = [0, 80], sizes = [512, 80], strides = [1, 1]} : vector<512x240xf32> to vector<512x80xf32>
    %convert_element_type3A_325 = arith.truncf %slice3A_324 : vector<512x80xf32> to vector<512x80xbf16>
    %get3A_326 = arith.constant 0 : index
    %get3A_327 = arith.constant 0 : index
    %get3A_328 = vector.load %arg14[%get3A_326, %get3A_327] : memref<80x32xbf16, #tpu.memory_space<vmem>>, vector<80x32xbf16>
    %dot_general3A_329 = arith.constant dense<0.000000e+00> : vector<512x32xf32>
    %dot_general3A_330 = tpu.matmul %convert_element_type3A_325, %get3A_328, %dot_general3A_329 {dimension_numbers = #tpu.dot_dimension_numbers<[1], [0], [0], [1], [0, 0, 1, 1], [], []>, transpose_lhs_hint = false} : vector<512x80xbf16>, vector<80x32xbf16>, vector<512x32xf32> -> vector<512x32xf32>
    %slice3A_331 = vector.extract_strided_slice %add3A_288 {offsets = [0, 96], sizes = [512, 80], strides = [1, 1]} : vector<512x240xf32> to vector<512x80xf32>
    %convert_element_type3A_332 = arith.truncf %slice3A_331 : vector<512x80xf32> to vector<512x80xbf16>
    %get3A_333 = arith.constant 0 : index
    %get3A_334 = arith.constant 0 : index
    %get3A_335 = vector.load %arg14[%get3A_333, %get3A_334] : memref<80x32xbf16, #tpu.memory_space<vmem>>, vector<80x32xbf16>
    %dot_general3A_336 = arith.constant dense<0.000000e+00> : vector<512x32xf32>
    %dot_general3A_337 = tpu.matmul %convert_element_type3A_332, %get3A_335, %dot_general3A_336 {dimension_numbers = #tpu.dot_dimension_numbers<[1], [0], [0], [1], [0, 0, 1, 1], [], []>, transpose_lhs_hint = false} : vector<512x80xbf16>, vector<80x32xbf16>, vector<512x32xf32> -> vector<512x32xf32>
    %slice3A_338 = vector.extract_strided_slice %add3A_288 {offsets = [0, 112], sizes = [512, 80], strides = [1, 1]} : vector<512x240xf32> to vector<512x80xf32>
    %convert_element_type3A_339 = arith.truncf %slice3A_338 : vector<512x80xf32> to vector<512x80xbf16>
    %get3A_340 = arith.constant 0 : index
    %get3A_341 = arith.constant 0 : index
    %get3A_342 = vector.load %arg14[%get3A_340, %get3A_341] : memref<80x32xbf16, #tpu.memory_space<vmem>>, vector<80x32xbf16>
    %dot_general3A_343 = arith.constant dense<0.000000e+00> : vector<512x32xf32>
    %dot_general3A_344 = tpu.matmul %convert_element_type3A_339, %get3A_342, %dot_general3A_343 {dimension_numbers = #tpu.dot_dimension_numbers<[1], [0], [0], [1], [0, 0, 1, 1], [], []>, transpose_lhs_hint = false} : vector<512x80xbf16>, vector<80x32xbf16>, vector<512x32xf32> -> vector<512x32xf32>
    %slice3A_345 = vector.extract_strided_slice %add3A_288 {offsets = [0, 128], sizes = [512, 80], strides = [1, 1]} : vector<512x240xf32> to vector<512x80xf32>
    %convert_element_type3A_346 = arith.truncf %slice3A_345 : vector<512x80xf32> to vector<512x80xbf16>
    %get3A_347 = arith.constant 0 : index
    %get3A_348 = arith.constant 0 : index
    %get3A_349 = vector.load %arg14[%get3A_347, %get3A_348] : memref<80x32xbf16, #tpu.memory_space<vmem>>, vector<80x32xbf16>
    %dot_general3A_350 = arith.constant dense<0.000000e+00> : vector<512x32xf32>
    %dot_general3A_351 = tpu.matmul %convert_element_type3A_346, %get3A_349, %dot_general3A_350 {dimension_numbers = #tpu.dot_dimension_numbers<[1], [0], [0], [1], [0, 0, 1, 1], [], []>, transpose_lhs_hint = false} : vector<512x80xbf16>, vector<80x32xbf16>, vector<512x32xf32> -> vector<512x32xf32>
    %slice3A_352 = vector.extract_strided_slice %add3A_288 {offsets = [0, 144], sizes = [512, 80], strides = [1, 1]} : vector<512x240xf32> to vector<512x80xf32>
    %convert_element_type3A_353 = arith.truncf %slice3A_352 : vector<512x80xf32> to vector<512x80xbf16>
    %get3A_354 = arith.constant 0 : index
    %get3A_355 = arith.constant 0 : index
    %get3A_356 = vector.load %arg14[%get3A_354, %get3A_355] : memref<80x32xbf16, #tpu.memory_space<vmem>>, vector<80x32xbf16>
    %dot_general3A_357 = arith.constant dense<0.000000e+00> : vector<512x32xf32>
    %dot_general3A_358 = tpu.matmul %convert_element_type3A_353, %get3A_356, %dot_general3A_357 {dimension_numbers = #tpu.dot_dimension_numbers<[1], [0], [0], [1], [0, 0, 1, 1], [], []>, transpose_lhs_hint = false} : vector<512x80xbf16>, vector<80x32xbf16>, vector<512x32xf32> -> vector<512x32xf32>
    %slice3A_359 = vector.extract_strided_slice %add3A_288 {offsets = [0, 160], sizes = [512, 80], strides = [1, 1]} : vector<512x240xf32> to vector<512x80xf32>
    %convert_element_type3A_360 = arith.truncf %slice3A_359 : vector<512x80xf32> to vector<512x80xbf16>
    %get3A_361 = arith.constant 0 : index
    %get3A_362 = arith.constant 0 : index
    %get3A_363 = vector.load %arg14[%get3A_361, %get3A_362] : memref<80x32xbf16, #tpu.memory_space<vmem>>, vector<80x32xbf16>
    %dot_general3A_364 = arith.constant dense<0.000000e+00> : vector<512x32xf32>
    %dot_general3A_365 = tpu.matmul %convert_element_type3A_360, %get3A_363, %dot_general3A_364 {dimension_numbers = #tpu.dot_dimension_numbers<[1], [0], [0], [1], [0, 0, 1, 1], [], []>, transpose_lhs_hint = false} : vector<512x80xbf16>, vector<80x32xbf16>, vector<512x32xf32> -> vector<512x32xf32>
    %concatenate3A_366 = tpu.concatenate %dot_general3A_295, %dot_general3A_302, %dot_general3A_309, %dot_general3A_316, %dot_general3A_323, %dot_general3A_330, %dot_general3A_337, %dot_general3A_344, %dot_general3A_351, %dot_general3A_358, %dot_general3A_365 in 1 : vector<512x32xf32>, vector<512x32xf32>, vector<512x32xf32>, vector<512x32xf32>, vector<512x32xf32>, vector<512x32xf32>, vector<512x32xf32>, vector<512x32xf32>, vector<512x32xf32>, vector<512x32xf32>, vector<512x32xf32> -> vector<512x352xf32>
    %get3A_367 = arith.constant 0 : index
    %get3A_368 = arith.constant 0 : index
    %get3A_369 = vector.load %arg15[%get3A_367, %get3A_368] : memref<1x352xf32, #tpu.memory_space<vmem>>, vector<1x352xf32>
    %add3A_370 = vector.broadcast %get3A_369 : vector<1x352xf32> to vector<512x352xf32>
    %add3A_371 = arith.addf %concatenate3A_366, %add3A_370 : vector<512x352xf32>
    %max3A_372 = arith.constant 0.000000e+00 : f32
    %max3A_373 = vector.broadcast %max3A_372 : f32 to vector<512x352xf32>
    %max3A_374 = arith.maximumf %add3A_371, %max3A_373 : vector<512x352xf32>
    %get3A_375 = arith.constant 0 : index
    %get3A_376 = arith.constant 0 : index
    %get3A_377 = vector.load %arg18[%get3A_375, %get3A_376] : memref<1x352xf32, #tpu.memory_space<vmem>>, vector<1x352xf32>
    %get3A_378 = arith.constant 0 : index
    %get3A_379 = arith.constant 0 : index
    %get3A_380 = vector.load %arg16[%get3A_378, %get3A_379] : memref<1x352xf32, #tpu.memory_space<vmem>>, vector<1x352xf32>
    %sub3A_381 = vector.broadcast %get3A_380 : vector<1x352xf32> to vector<512x352xf32>
    %sub3A_382 = arith.subf %max3A_374, %sub3A_381 : vector<512x352xf32>
    %mul3A_383 = vector.broadcast %get3A_377 : vector<1x352xf32> to vector<512x352xf32>
    %mul3A_384 = arith.mulf %mul3A_383, %sub3A_382 : vector<512x352xf32>
    %get3A_385 = arith.constant 0 : index
    %get3A_386 = arith.constant 0 : index
    %get3A_387 = vector.load %arg17[%get3A_385, %get3A_386] : memref<1x352xf32, #tpu.memory_space<vmem>>, vector<1x352xf32>
    %div3A_388 = vector.broadcast %get3A_387 : vector<1x352xf32> to vector<512x352xf32>
    %div3A_389 = arith.divf %mul3A_384, %div3A_388 : vector<512x352xf32>
    %get3A_390 = arith.constant 0 : index
    %get3A_391 = arith.constant 0 : index
    %get3A_392 = vector.load %arg19[%get3A_390, %get3A_391] : memref<1x352xf32, #tpu.memory_space<vmem>>, vector<1x352xf32>
    %add3A_393 = vector.broadcast %get3A_392 : vector<1x352xf32> to vector<512x352xf32>
    %add3A_394 = arith.addf %div3A_389, %add3A_393 : vector<512x352xf32>
    %reshape3A = vector.shape_cast %add3A_394 : vector<512x352xf32> to vector<512x11x32xf32>
    %transpose3A = tpu.transpose %reshape3A, [0, 2, 1] : vector<512x11x32xf32> -> vector<512x32x11xf32>
    %reshape3A_395 = vector.shape_cast %transpose3A : vector<512x32x11xf32> to vector<512x352xf32>
    %convert_element_type3A_396 = arith.truncf %reshape3A_395 : vector<512x352xf32> to vector<512x352xbf16>
    %get3A_397 = arith.constant 0 : index
    %get3A_398 = arith.constant 0 : index
    %get3A_399 = vector.load %arg20[%get3A_397, %get3A_398] : memref<352x64xbf16, #tpu.memory_space<vmem>>, vector<352x64xbf16>
    %dot_general3A_400 = arith.constant dense<0.000000e+00> : vector<512x64xf32>
    %dot_general3A_401 = tpu.matmul %convert_element_type3A_396, %get3A_399, %dot_general3A_400 {dimension_numbers = #tpu.dot_dimension_numbers<[1], [0], [0], [1], [0, 0, 1, 1], [], []>, transpose_lhs_hint = false} : vector<512x352xbf16>, vector<352x64xbf16>, vector<512x64xf32> -> vector<512x64xf32>
    %get3A_402 = arith.constant 0 : index
    %get3A_403 = arith.constant 0 : index
    %get3A_404 = vector.load %arg21[%get3A_402, %get3A_403] : memref<1x64xf32, #tpu.memory_space<vmem>>, vector<1x64xf32>
    %add3A_405 = vector.broadcast %get3A_404 : vector<1x64xf32> to vector<512x64xf32>
    %add3A_406 = arith.addf %dot_general3A_401, %add3A_405 : vector<512x64xf32>
    %max3A_407 = arith.constant 0.000000e+00 : f32
    %max3A_408 = vector.broadcast %max3A_407 : f32 to vector<512x64xf32>
    %max3A_409 = arith.maximumf %add3A_406, %max3A_408 : vector<512x64xf32>
    %swap3A = arith.constant 0 : index
    %swap3A_410 = arith.constant 0 : index
    %swap3A_411 = vector.load %arg22[%swap3A, %swap3A_410] : memref<512x64xf32, #tpu.memory_space<vmem>>, vector<512x64xf32>
    tpu.vector_store %arg22[%swap3A, %swap3A_410], %max3A_409 {strides = array<i32>} : memref<512x64xf32, #tpu.memory_space<vmem>>, vector<512x64xf32>,
    return
  }
  func.func @transform_0(%arg0: i32) -> (i32, i32) {
    %c0_i32 = arith.constant 0 : i32
    %c0_i32_0 = arith.constant 0 : i32
    return %arg0, %c0_i32 : i32, i32
  }
  func.func @transform_1(%arg0: i32) -> (i32, i32) {
    %c0_i32 = arith.constant 0 : i32
    %c0_i32_0 = arith.constant 0 : i32
    %c0_i32_1 = arith.constant 0 : i32
    return %c0_i32, %c0_i32_0 : i32, i32
  }
  func.func @transform_2(%arg0: i32) -> (i32, i32) {
    %c0_i32 = arith.constant 0 : i32
    %c0_i32_0 = arith.constant 0 : i32
    %c0_i32_1 = arith.constant 0 : i32
    return %c0_i32, %c0_i32_0 : i32, i32
  }
  func.func @transform_3(%arg0: i32) -> (i32, i32) {
    %c0_i32 = arith.constant 0 : i32
    %c0_i32_0 = arith.constant 0 : i32
    %c0_i32_1 = arith.constant 0 : i32
    return %c0_i32, %c0_i32_0 : i32, i32
  }
  func.func @transform_4(%arg0: i32) -> (i32, i32) {
    %c0_i32 = arith.constant 0 : i32
    %c0_i32_0 = arith.constant 0 : i32
    %c0_i32_1 = arith.constant 0 : i32
    return %c0_i32, %c0_i32_0 : i32, i32
  }
  func.func @transform_5(%arg0: i32) -> (i32, i32) {
    %c0_i32 = arith.constant 0 : i32
    %c0_i32_0 = arith.constant 0 : i32
    %c0_i32_1 = arith.constant 0 : i32
    return %c0_i32, %c0_i32_0 : i32, i32
  }
  func.func @transform_6(%arg0: i32) -> (i32, i32) {
    %c0_i32 = arith.constant 0 : i32
    %c0_i32_0 = arith.constant 0 : i32
    %c0_i32_1 = arith.constant 0 : i32
    return %c0_i32, %c0_i32_0 : i32, i32
  }
  func.func @transform_7(%arg0: i32) -> (i32, i32) {
    %c0_i32 = arith.constant 0 : i32
    %c0_i32_0 = arith.constant 0 : i32
    %c0_i32_1 = arith.constant 0 : i32
    return %c0_i32, %c0_i32_0 : i32, i32
  }
  func.func @transform_8(%arg0: i32) -> (i32, i32) {
    %c0_i32 = arith.constant 0 : i32
    %c0_i32_0 = arith.constant 0 : i32
    %c0_i32_1 = arith.constant 0 : i32
    return %c0_i32, %c0_i32_0 : i32, i32
  }
  func.func @transform_9(%arg0: i32) -> (i32, i32) {
    %c0_i32 = arith.constant 0 : i32
    %c0_i32_0 = arith.constant 0 : i32
    %c0_i32_1 = arith.constant 0 : i32
    return %c0_i32, %c0_i32_0 : i32, i32
  }
  func.func @transform_10(%arg0: i32) -> (i32, i32) {
    %c0_i32 = arith.constant 0 : i32
    %c0_i32_0 = arith.constant 0 : i32
    %c0_i32_1 = arith.constant 0 : i32
    return %c0_i32, %c0_i32_0 : i32, i32
  }
  func.func @transform_11(%arg0: i32) -> (i32, i32) {
    %c0_i32 = arith.constant 0 : i32
    %c0_i32_0 = arith.constant 0 : i32
    %c0_i32_1 = arith.constant 0 : i32
    return %c0_i32, %c0_i32_0 : i32, i32
  }
  func.func @transform_12(%arg0: i32) -> (i32, i32) {
    %c0_i32 = arith.constant 0 : i32
    %c0_i32_0 = arith.constant 0 : i32
    %c0_i32_1 = arith.constant 0 : i32
    return %c0_i32, %c0_i32_0 : i32, i32
  }
  func.func @transform_13(%arg0: i32) -> (i32, i32) {
    %c0_i32 = arith.constant 0 : i32
    %c0_i32_0 = arith.constant 0 : i32
    %c0_i32_1 = arith.constant 0 : i32
    return %c0_i32, %c0_i32_0 : i32, i32
  }
  func.func @transform_14(%arg0: i32) -> (i32, i32) {
    %c0_i32 = arith.constant 0 : i32
    %c0_i32_0 = arith.constant 0 : i32
    %c0_i32_1 = arith.constant 0 : i32
    return %c0_i32, %c0_i32_0 : i32, i32
  }
  func.func @transform_15(%arg0: i32) -> (i32, i32) {
    %c0_i32 = arith.constant 0 : i32
    %c0_i32_0 = arith.constant 0 : i32
    %c0_i32_1 = arith.constant 0 : i32
    return %c0_i32, %c0_i32_0 : i32, i32
  }
  func.func @transform_16(%arg0: i32) -> (i32, i32) {
    %c0_i32 = arith.constant 0 : i32
    %c0_i32_0 = arith.constant 0 : i32
    %c0_i32_1 = arith.constant 0 : i32
    return %c0_i32, %c0_i32_0 : i32, i32
  }
  func.func @transform_17(%arg0: i32) -> (i32, i32) {
    %c0_i32 = arith.constant 0 : i32
    %c0_i32_0 = arith.constant 0 : i32
    %c0_i32_1 = arith.constant 0 : i32
    return %c0_i32, %c0_i32_0 : i32, i32
  }
  func.func @transform_18(%arg0: i32) -> (i32, i32) {
    %c0_i32 = arith.constant 0 : i32
    %c0_i32_0 = arith.constant 0 : i32
    %c0_i32_1 = arith.constant 0 : i32
    return %c0_i32, %c0_i32_0 : i32, i32
  }
  func.func @transform_19(%arg0: i32) -> (i32, i32) {
    %c0_i32 = arith.constant 0 : i32
    %c0_i32_0 = arith.constant 0 : i32
    %c0_i32_1 = arith.constant 0 : i32
    return %c0_i32, %c0_i32_0 : i32, i32
  }
  func.func @transform_20(%arg0: i32) -> (i32, i32) {
    %c0_i32 = arith.constant 0 : i32
    %c0_i32_0 = arith.constant 0 : i32
    %c0_i32_1 = arith.constant 0 : i32
    return %c0_i32, %c0_i32_0 : i32, i32
  }
  func.func @transform_21(%arg0: i32) -> (i32, i32) {
    %c0_i32 = arith.constant 0 : i32
    %c0_i32_0 = arith.constant 0 : i32
    return %arg0, %c0_i32 : i32, i32
  }
}

module attributes {stable_mosaic.version = 14 : i64} {
  func.func @_topk_body(%arg0: i32, %arg1: memref<128x32xbf16, #tpu.memory_space<vmem>>, %arg2: memref<128x32xbf16, #tpu.memory_space<vmem>>, %arg3: memref<8192x32xbf16, #tpu.memory_space<vmem>>, %arg4: memref<8192x32xbf16, #tpu.memory_space<vmem>>, %arg5: memref<128x8192xf32, #tpu.memory_space<vmem>>, %arg6: memref<128x16xf32, #tpu.memory_space<vmem>>, %arg7: memref<128x16xi32, #tpu.memory_space<vmem>>) attributes {dimension_semantics = [#tpu.dimension_semantics<arbitrary>], iteration_bounds = array<i64: 64>, scalar_prefetch = 0 : i64, scratch_operands = 0 : i64, tpu.core_type = #tpu.core_type<tc>, window_params = [{transform_indices = @transform_0, window_bounds = array<i64: 128, 32>}, {transform_indices = @transform_1, window_bounds = array<i64: 128, 32>}, {pipeline_mode = #tpu.pipeline_mode<synchronous>, transform_indices = @transform_2, window_bounds = array<i64: 8192, 32>}, {pipeline_mode = #tpu.pipeline_mode<synchronous>, transform_indices = @transform_3, window_bounds = array<i64: 8192, 32>}, {transform_indices = @transform_4, window_bounds = array<i64: 128, 8192>}, {transform_indices = @transform_5, window_bounds = array<i64: 128, 16>}, {transform_indices = @transform_6, window_bounds = array<i64: 128, 16>}]} {
    %get3A = arith.constant 0 : index
    %get3A_0 = arith.constant 0 : index
    %get3A_1 = vector.load %arg1[%get3A, %get3A_0] : memref<128x32xbf16, #tpu.memory_space<vmem>>, vector<128x32xbf16>
    %get3A_2 = arith.constant 0 : index
    %get3A_3 = arith.constant 0 : index
    %get3A_4 = vector.load %arg2[%get3A_2, %get3A_3] : memref<128x32xbf16, #tpu.memory_space<vmem>>, vector<128x32xbf16>
    %get3A_5 = arith.constant 0 : index
    %get3A_6 = arith.constant 0 : index
    %get3A_7 = vector.load %arg4[%get3A_5, %get3A_6] : memref<8192x32xbf16, #tpu.memory_space<vmem>>, vector<8192x32xbf16>
    %dot_general3A = arith.constant dense<0.000000e+00> : vector<128x8192xf32>
    %dot_general3A_8 = tpu.matmul %get3A_1, %get3A_7, %dot_general3A {dimension_numbers = #tpu.dot_dimension_numbers<[1], [1], [0], [0], [0, 0, 1, 0], [], []>, transpose_lhs_hint = false} : vector<128x32xbf16>, vector<8192x32xbf16>, vector<128x8192xf32> -> vector<128x8192xf32>
    %get3A_9 = arith.constant 0 : index
    %get3A_10 = arith.constant 0 : index
    %get3A_11 = vector.load %arg3[%get3A_9, %get3A_10] : memref<8192x32xbf16, #tpu.memory_space<vmem>>, vector<8192x32xbf16>
    %dot_general3A_12 = arith.constant dense<0.000000e+00> : vector<128x8192xf32>
    %dot_general3A_13 = tpu.matmul %get3A_4, %get3A_11, %dot_general3A_12 {dimension_numbers = #tpu.dot_dimension_numbers<[1], [1], [0], [0], [0, 0, 1, 0], [], []>, transpose_lhs_hint = false} : vector<128x32xbf16>, vector<8192x32xbf16>, vector<128x8192xf32> -> vector<128x8192xf32>
    %sub3A = arith.subf %dot_general3A_8, %dot_general3A_13 : vector<128x8192xf32>
    %max3A = arith.constant 0.000000e+00 : f32
    %max3A_14 = vector.broadcast %max3A : f32 to vector<128x8192xf32>
    %max3A_15 = arith.maximumf %sub3A, %max3A_14 : vector<128x8192xf32>
    %iota3A = tpu.iota {dimensions = array<i32: 1>} : vector<128x8192xi32>
    %reduce_max3A = arith.constant dense<0xFF800000> : vector<128xf32>
    %reduce_max3A_16 = vector.multi_reduction <maximumf>, %max3A_15, %reduce_max3A [1] : vector<128x8192xf32> to vector<128xf32>
    %broadcast_in_dim3A = vector.shape_cast %reduce_max3A_16 : vector<128xf32> to vector<128x1xf32>
    %eq3A = vector.broadcast %broadcast_in_dim3A : vector<128x1xf32> to vector<128x8192xf32>
    %eq3A_17 = arith.cmpf oeq, %max3A_15, %eq3A : vector<128x8192xf32>
    %jit3A = arith.constant 8192 : i32
    %broadcast_in_dim3A_18 = vector.broadcast %jit3A : i32 to vector<128x8192xi32>
    %select_n3A = arith.select %eq3A_17, %iota3A, %broadcast_in_dim3A_18 : vector<128x8192xi1>, vector<128x8192xi32>
    %reduce_min3A = arith.constant dense<2147483647> : vector<128xi32>
    %reduce_min3A_19 = vector.multi_reduction <minsi>, %select_n3A, %reduce_min3A [1] : vector<128x8192xi32> to vector<128xi32>
    %broadcast_in_dim3A_20 = vector.shape_cast %reduce_min3A_19 : vector<128xi32> to vector<128x1xi32>
    %jit3A_21 = arith.constant 0xFF800000 : f32
    %broadcast_in_dim3A_22 = vector.broadcast %jit3A_21 : f32 to vector<128x8192xf32>
    %select_n3A_23 = arith.select %eq3A_17, %broadcast_in_dim3A_22, %max3A_15 : vector<128x8192xi1>, vector<128x8192xf32>
    %reduce_max3A_24 = arith.constant dense<0xFF800000> : vector<128xf32>
    %reduce_max3A_25 = vector.multi_reduction <maximumf>, %select_n3A_23, %reduce_max3A_24 [1] : vector<128x8192xf32> to vector<128xf32>
    %broadcast_in_dim3A_26 = vector.shape_cast %reduce_max3A_25 : vector<128xf32> to vector<128x1xf32>
    %eq3A_27 = vector.broadcast %broadcast_in_dim3A_26 : vector<128x1xf32> to vector<128x8192xf32>
    %eq3A_28 = arith.cmpf oeq, %select_n3A_23, %eq3A_27 : vector<128x8192xf32>
    %jit3A_29 = arith.constant 8192 : i32
    %broadcast_in_dim3A_30 = vector.broadcast %jit3A_29 : i32 to vector<128x8192xi32>
    %select_n3A_31 = arith.select %eq3A_28, %iota3A, %broadcast_in_dim3A_30 : vector<128x8192xi1>, vector<128x8192xi32>
    %reduce_min3A_32 = arith.constant dense<2147483647> : vector<128xi32>
    %reduce_min3A_33 = vector.multi_reduction <minsi>, %select_n3A_31, %reduce_min3A_32 [1] : vector<128x8192xi32> to vector<128xi32>
    %broadcast_in_dim3A_34 = vector.shape_cast %reduce_min3A_33 : vector<128xi32> to vector<128x1xi32>
    %jit3A_35 = arith.constant 0xFF800000 : f32
    %broadcast_in_dim3A_36 = vector.broadcast %jit3A_35 : f32 to vector<128x8192xf32>
    %select_n3A_37 = arith.select %eq3A_28, %broadcast_in_dim3A_36, %select_n3A_23 : vector<128x8192xi1>, vector<128x8192xf32>
    %reduce_max3A_38 = arith.constant dense<0xFF800000> : vector<128xf32>
    %reduce_max3A_39 = vector.multi_reduction <maximumf>, %select_n3A_37, %reduce_max3A_38 [1] : vector<128x8192xf32> to vector<128xf32>
    %broadcast_in_dim3A_40 = vector.shape_cast %reduce_max3A_39 : vector<128xf32> to vector<128x1xf32>
    %eq3A_41 = vector.broadcast %broadcast_in_dim3A_40 : vector<128x1xf32> to vector<128x8192xf32>
    %eq3A_42 = arith.cmpf oeq, %select_n3A_37, %eq3A_41 : vector<128x8192xf32>
    %jit3A_43 = arith.constant 8192 : i32
    %broadcast_in_dim3A_44 = vector.broadcast %jit3A_43 : i32 to vector<128x8192xi32>
    %select_n3A_45 = arith.select %eq3A_42, %iota3A, %broadcast_in_dim3A_44 : vector<128x8192xi1>, vector<128x8192xi32>
    %reduce_min3A_46 = arith.constant dense<2147483647> : vector<128xi32>
    %reduce_min3A_47 = vector.multi_reduction <minsi>, %select_n3A_45, %reduce_min3A_46 [1] : vector<128x8192xi32> to vector<128xi32>
    %broadcast_in_dim3A_48 = vector.shape_cast %reduce_min3A_47 : vector<128xi32> to vector<128x1xi32>
    %jit3A_49 = arith.constant 0xFF800000 : f32
    %broadcast_in_dim3A_50 = vector.broadcast %jit3A_49 : f32 to vector<128x8192xf32>
    %select_n3A_51 = arith.select %eq3A_42, %broadcast_in_dim3A_50, %select_n3A_37 : vector<128x8192xi1>, vector<128x8192xf32>
    %reduce_max3A_52 = arith.constant dense<0xFF800000> : vector<128xf32>
    %reduce_max3A_53 = vector.multi_reduction <maximumf>, %select_n3A_51, %reduce_max3A_52 [1] : vector<128x8192xf32> to vector<128xf32>
    %broadcast_in_dim3A_54 = vector.shape_cast %reduce_max3A_53 : vector<128xf32> to vector<128x1xf32>
    %eq3A_55 = vector.broadcast %broadcast_in_dim3A_54 : vector<128x1xf32> to vector<128x8192xf32>
    %eq3A_56 = arith.cmpf oeq, %select_n3A_51, %eq3A_55 : vector<128x8192xf32>
    %jit3A_57 = arith.constant 8192 : i32
    %broadcast_in_dim3A_58 = vector.broadcast %jit3A_57 : i32 to vector<128x8192xi32>
    %select_n3A_59 = arith.select %eq3A_56, %iota3A, %broadcast_in_dim3A_58 : vector<128x8192xi1>, vector<128x8192xi32>
    %reduce_min3A_60 = arith.constant dense<2147483647> : vector<128xi32>
    %reduce_min3A_61 = vector.multi_reduction <minsi>, %select_n3A_59, %reduce_min3A_60 [1] : vector<128x8192xi32> to vector<128xi32>
    %broadcast_in_dim3A_62 = vector.shape_cast %reduce_min3A_61 : vector<128xi32> to vector<128x1xi32>
    %jit3A_63 = arith.constant 0xFF800000 : f32
    %broadcast_in_dim3A_64 = vector.broadcast %jit3A_63 : f32 to vector<128x8192xf32>
    %select_n3A_65 = arith.select %eq3A_56, %broadcast_in_dim3A_64, %select_n3A_51 : vector<128x8192xi1>, vector<128x8192xf32>
    %reduce_max3A_66 = arith.constant dense<0xFF800000> : vector<128xf32>
    %reduce_max3A_67 = vector.multi_reduction <maximumf>, %select_n3A_65, %reduce_max3A_66 [1] : vector<128x8192xf32> to vector<128xf32>
    %broadcast_in_dim3A_68 = vector.shape_cast %reduce_max3A_67 : vector<128xf32> to vector<128x1xf32>
    %eq3A_69 = vector.broadcast %broadcast_in_dim3A_68 : vector<128x1xf32> to vector<128x8192xf32>
    %eq3A_70 = arith.cmpf oeq, %select_n3A_65, %eq3A_69 : vector<128x8192xf32>
    %jit3A_71 = arith.constant 8192 : i32
    %broadcast_in_dim3A_72 = vector.broadcast %jit3A_71 : i32 to vector<128x8192xi32>
    %select_n3A_73 = arith.select %eq3A_70, %iota3A, %broadcast_in_dim3A_72 : vector<128x8192xi1>, vector<128x8192xi32>
    %reduce_min3A_74 = arith.constant dense<2147483647> : vector<128xi32>
    %reduce_min3A_75 = vector.multi_reduction <minsi>, %select_n3A_73, %reduce_min3A_74 [1] : vector<128x8192xi32> to vector<128xi32>
    %broadcast_in_dim3A_76 = vector.shape_cast %reduce_min3A_75 : vector<128xi32> to vector<128x1xi32>
    %jit3A_77 = arith.constant 0xFF800000 : f32
    %broadcast_in_dim3A_78 = vector.broadcast %jit3A_77 : f32 to vector<128x8192xf32>
    %select_n3A_79 = arith.select %eq3A_70, %broadcast_in_dim3A_78, %select_n3A_65 : vector<128x8192xi1>, vector<128x8192xf32>
    %reduce_max3A_80 = arith.constant dense<0xFF800000> : vector<128xf32>
    %reduce_max3A_81 = vector.multi_reduction <maximumf>, %select_n3A_79, %reduce_max3A_80 [1] : vector<128x8192xf32> to vector<128xf32>
    %broadcast_in_dim3A_82 = vector.shape_cast %reduce_max3A_81 : vector<128xf32> to vector<128x1xf32>
    %eq3A_83 = vector.broadcast %broadcast_in_dim3A_82 : vector<128x1xf32> to vector<128x8192xf32>
    %eq3A_84 = arith.cmpf oeq, %select_n3A_79, %eq3A_83 : vector<128x8192xf32>
    %jit3A_85 = arith.constant 8192 : i32
    %broadcast_in_dim3A_86 = vector.broadcast %jit3A_85 : i32 to vector<128x8192xi32>
    %select_n3A_87 = arith.select %eq3A_84, %iota3A, %broadcast_in_dim3A_86 : vector<128x8192xi1>, vector<128x8192xi32>
    %reduce_min3A_88 = arith.constant dense<2147483647> : vector<128xi32>
    %reduce_min3A_89 = vector.multi_reduction <minsi>, %select_n3A_87, %reduce_min3A_88 [1] : vector<128x8192xi32> to vector<128xi32>
    %broadcast_in_dim3A_90 = vector.shape_cast %reduce_min3A_89 : vector<128xi32> to vector<128x1xi32>
    %jit3A_91 = arith.constant 0xFF800000 : f32
    %broadcast_in_dim3A_92 = vector.broadcast %jit3A_91 : f32 to vector<128x8192xf32>
    %select_n3A_93 = arith.select %eq3A_84, %broadcast_in_dim3A_92, %select_n3A_79 : vector<128x8192xi1>, vector<128x8192xf32>
    %reduce_max3A_94 = arith.constant dense<0xFF800000> : vector<128xf32>
    %reduce_max3A_95 = vector.multi_reduction <maximumf>, %select_n3A_93, %reduce_max3A_94 [1] : vector<128x8192xf32> to vector<128xf32>
    %broadcast_in_dim3A_96 = vector.shape_cast %reduce_max3A_95 : vector<128xf32> to vector<128x1xf32>
    %eq3A_97 = vector.broadcast %broadcast_in_dim3A_96 : vector<128x1xf32> to vector<128x8192xf32>
    %eq3A_98 = arith.cmpf oeq, %select_n3A_93, %eq3A_97 : vector<128x8192xf32>
    %jit3A_99 = arith.constant 8192 : i32
    %broadcast_in_dim3A_100 = vector.broadcast %jit3A_99 : i32 to vector<128x8192xi32>
    %select_n3A_101 = arith.select %eq3A_98, %iota3A, %broadcast_in_dim3A_100 : vector<128x8192xi1>, vector<128x8192xi32>
    %reduce_min3A_102 = arith.constant dense<2147483647> : vector<128xi32>
    %reduce_min3A_103 = vector.multi_reduction <minsi>, %select_n3A_101, %reduce_min3A_102 [1] : vector<128x8192xi32> to vector<128xi32>
    %broadcast_in_dim3A_104 = vector.shape_cast %reduce_min3A_103 : vector<128xi32> to vector<128x1xi32>
    %jit3A_105 = arith.constant 0xFF800000 : f32
    %broadcast_in_dim3A_106 = vector.broadcast %jit3A_105 : f32 to vector<128x8192xf32>
    %select_n3A_107 = arith.select %eq3A_98, %broadcast_in_dim3A_106, %select_n3A_93 : vector<128x8192xi1>, vector<128x8192xf32>
    %reduce_max3A_108 = arith.constant dense<0xFF800000> : vector<128xf32>
    %reduce_max3A_109 = vector.multi_reduction <maximumf>, %select_n3A_107, %reduce_max3A_108 [1] : vector<128x8192xf32> to vector<128xf32>
    %broadcast_in_dim3A_110 = vector.shape_cast %reduce_max3A_109 : vector<128xf32> to vector<128x1xf32>
    %eq3A_111 = vector.broadcast %broadcast_in_dim3A_110 : vector<128x1xf32> to vector<128x8192xf32>
    %eq3A_112 = arith.cmpf oeq, %select_n3A_107, %eq3A_111 : vector<128x8192xf32>
    %jit3A_113 = arith.constant 8192 : i32
    %broadcast_in_dim3A_114 = vector.broadcast %jit3A_113 : i32 to vector<128x8192xi32>
    %select_n3A_115 = arith.select %eq3A_112, %iota3A, %broadcast_in_dim3A_114 : vector<128x8192xi1>, vector<128x8192xi32>
    %reduce_min3A_116 = arith.constant dense<2147483647> : vector<128xi32>
    %reduce_min3A_117 = vector.multi_reduction <minsi>, %select_n3A_115, %reduce_min3A_116 [1] : vector<128x8192xi32> to vector<128xi32>
    %broadcast_in_dim3A_118 = vector.shape_cast %reduce_min3A_117 : vector<128xi32> to vector<128x1xi32>
    %jit3A_119 = arith.constant 0xFF800000 : f32
    %broadcast_in_dim3A_120 = vector.broadcast %jit3A_119 : f32 to vector<128x8192xf32>
    %select_n3A_121 = arith.select %eq3A_112, %broadcast_in_dim3A_120, %select_n3A_107 : vector<128x8192xi1>, vector<128x8192xf32>
    %reduce_max3A_122 = arith.constant dense<0xFF800000> : vector<128xf32>
    %reduce_max3A_123 = vector.multi_reduction <maximumf>, %select_n3A_121, %reduce_max3A_122 [1] : vector<128x8192xf32> to vector<128xf32>
    %broadcast_in_dim3A_124 = vector.shape_cast %reduce_max3A_123 : vector<128xf32> to vector<128x1xf32>
    %eq3A_125 = vector.broadcast %broadcast_in_dim3A_124 : vector<128x1xf32> to vector<128x8192xf32>
    %eq3A_126 = arith.cmpf oeq, %select_n3A_121, %eq3A_125 : vector<128x8192xf32>
    %jit3A_127 = arith.constant 8192 : i32
    %broadcast_in_dim3A_128 = vector.broadcast %jit3A_127 : i32 to vector<128x8192xi32>
    %select_n3A_129 = arith.select %eq3A_126, %iota3A, %broadcast_in_dim3A_128 : vector<128x8192xi1>, vector<128x8192xi32>
    %reduce_min3A_130 = arith.constant dense<2147483647> : vector<128xi32>
    %reduce_min3A_131 = vector.multi_reduction <minsi>, %select_n3A_129, %reduce_min3A_130 [1] : vector<128x8192xi32> to vector<128xi32>
    %broadcast_in_dim3A_132 = vector.shape_cast %reduce_min3A_131 : vector<128xi32> to vector<128x1xi32>
    %jit3A_133 = arith.constant 0xFF800000 : f32
    %broadcast_in_dim3A_134 = vector.broadcast %jit3A_133 : f32 to vector<128x8192xf32>
    %select_n3A_135 = arith.select %eq3A_126, %broadcast_in_dim3A_134, %select_n3A_121 : vector<128x8192xi1>, vector<128x8192xf32>
    %reduce_max3A_136 = arith.constant dense<0xFF800000> : vector<128xf32>
    %reduce_max3A_137 = vector.multi_reduction <maximumf>, %select_n3A_135, %reduce_max3A_136 [1] : vector<128x8192xf32> to vector<128xf32>
    %broadcast_in_dim3A_138 = vector.shape_cast %reduce_max3A_137 : vector<128xf32> to vector<128x1xf32>
    %eq3A_139 = vector.broadcast %broadcast_in_dim3A_138 : vector<128x1xf32> to vector<128x8192xf32>
    %eq3A_140 = arith.cmpf oeq, %select_n3A_135, %eq3A_139 : vector<128x8192xf32>
    %jit3A_141 = arith.constant 8192 : i32
    %broadcast_in_dim3A_142 = vector.broadcast %jit3A_141 : i32 to vector<128x8192xi32>
    %select_n3A_143 = arith.select %eq3A_140, %iota3A, %broadcast_in_dim3A_142 : vector<128x8192xi1>, vector<128x8192xi32>
    %reduce_min3A_144 = arith.constant dense<2147483647> : vector<128xi32>
    %reduce_min3A_145 = vector.multi_reduction <minsi>, %select_n3A_143, %reduce_min3A_144 [1] : vector<128x8192xi32> to vector<128xi32>
    %broadcast_in_dim3A_146 = vector.shape_cast %reduce_min3A_145 : vector<128xi32> to vector<128x1xi32>
    %jit3A_147 = arith.constant 0xFF800000 : f32
    %broadcast_in_dim3A_148 = vector.broadcast %jit3A_147 : f32 to vector<128x8192xf32>
    %select_n3A_149 = arith.select %eq3A_140, %broadcast_in_dim3A_148, %select_n3A_135 : vector<128x8192xi1>, vector<128x8192xf32>
    %reduce_max3A_150 = arith.constant dense<0xFF800000> : vector<128xf32>
    %reduce_max3A_151 = vector.multi_reduction <maximumf>, %select_n3A_149, %reduce_max3A_150 [1] : vector<128x8192xf32> to vector<128xf32>
    %broadcast_in_dim3A_152 = vector.shape_cast %reduce_max3A_151 : vector<128xf32> to vector<128x1xf32>
    %eq3A_153 = vector.broadcast %broadcast_in_dim3A_152 : vector<128x1xf32> to vector<128x8192xf32>
    %eq3A_154 = arith.cmpf oeq, %select_n3A_149, %eq3A_153 : vector<128x8192xf32>
    %jit3A_155 = arith.constant 8192 : i32
    %broadcast_in_dim3A_156 = vector.broadcast %jit3A_155 : i32 to vector<128x8192xi32>
    %select_n3A_157 = arith.select %eq3A_154, %iota3A, %broadcast_in_dim3A_156 : vector<128x8192xi1>, vector<128x8192xi32>
    %reduce_min3A_158 = arith.constant dense<2147483647> : vector<128xi32>
    %reduce_min3A_159 = vector.multi_reduction <minsi>, %select_n3A_157, %reduce_min3A_158 [1] : vector<128x8192xi32> to vector<128xi32>
    %broadcast_in_dim3A_160 = vector.shape_cast %reduce_min3A_159 : vector<128xi32> to vector<128x1xi32>
    %jit3A_161 = arith.constant 0xFF800000 : f32
    %broadcast_in_dim3A_162 = vector.broadcast %jit3A_161 : f32 to vector<128x8192xf32>
    %select_n3A_163 = arith.select %eq3A_154, %broadcast_in_dim3A_162, %select_n3A_149 : vector<128x8192xi1>, vector<128x8192xf32>
    %reduce_max3A_164 = arith.constant dense<0xFF800000> : vector<128xf32>
    %reduce_max3A_165 = vector.multi_reduction <maximumf>, %select_n3A_163, %reduce_max3A_164 [1] : vector<128x8192xf32> to vector<128xf32>
    %broadcast_in_dim3A_166 = vector.shape_cast %reduce_max3A_165 : vector<128xf32> to vector<128x1xf32>
    %eq3A_167 = vector.broadcast %broadcast_in_dim3A_166 : vector<128x1xf32> to vector<128x8192xf32>
    %eq3A_168 = arith.cmpf oeq, %select_n3A_163, %eq3A_167 : vector<128x8192xf32>
    %jit3A_169 = arith.constant 8192 : i32
    %broadcast_in_dim3A_170 = vector.broadcast %jit3A_169 : i32 to vector<128x8192xi32>
    %select_n3A_171 = arith.select %eq3A_168, %iota3A, %broadcast_in_dim3A_170 : vector<128x8192xi1>, vector<128x8192xi32>
    %reduce_min3A_172 = arith.constant dense<2147483647> : vector<128xi32>
    %reduce_min3A_173 = vector.multi_reduction <minsi>, %select_n3A_171, %reduce_min3A_172 [1] : vector<128x8192xi32> to vector<128xi32>
    %broadcast_in_dim3A_174 = vector.shape_cast %reduce_min3A_173 : vector<128xi32> to vector<128x1xi32>
    %jit3A_175 = arith.constant 0xFF800000 : f32
    %broadcast_in_dim3A_176 = vector.broadcast %jit3A_175 : f32 to vector<128x8192xf32>
    %select_n3A_177 = arith.select %eq3A_168, %broadcast_in_dim3A_176, %select_n3A_163 : vector<128x8192xi1>, vector<128x8192xf32>
    %reduce_max3A_178 = arith.constant dense<0xFF800000> : vector<128xf32>
    %reduce_max3A_179 = vector.multi_reduction <maximumf>, %select_n3A_177, %reduce_max3A_178 [1] : vector<128x8192xf32> to vector<128xf32>
    %broadcast_in_dim3A_180 = vector.shape_cast %reduce_max3A_179 : vector<128xf32> to vector<128x1xf32>
    %eq3A_181 = vector.broadcast %broadcast_in_dim3A_180 : vector<128x1xf32> to vector<128x8192xf32>
    %eq3A_182 = arith.cmpf oeq, %select_n3A_177, %eq3A_181 : vector<128x8192xf32>
    %jit3A_183 = arith.constant 8192 : i32
    %broadcast_in_dim3A_184 = vector.broadcast %jit3A_183 : i32 to vector<128x8192xi32>
    %select_n3A_185 = arith.select %eq3A_182, %iota3A, %broadcast_in_dim3A_184 : vector<128x8192xi1>, vector<128x8192xi32>
    %reduce_min3A_186 = arith.constant dense<2147483647> : vector<128xi32>
    %reduce_min3A_187 = vector.multi_reduction <minsi>, %select_n3A_185, %reduce_min3A_186 [1] : vector<128x8192xi32> to vector<128xi32>
    %broadcast_in_dim3A_188 = vector.shape_cast %reduce_min3A_187 : vector<128xi32> to vector<128x1xi32>
    %jit3A_189 = arith.constant 0xFF800000 : f32
    %broadcast_in_dim3A_190 = vector.broadcast %jit3A_189 : f32 to vector<128x8192xf32>
    %select_n3A_191 = arith.select %eq3A_182, %broadcast_in_dim3A_190, %select_n3A_177 : vector<128x8192xi1>, vector<128x8192xf32>
    %reduce_max3A_192 = arith.constant dense<0xFF800000> : vector<128xf32>
    %reduce_max3A_193 = vector.multi_reduction <maximumf>, %select_n3A_191, %reduce_max3A_192 [1] : vector<128x8192xf32> to vector<128xf32>
    %broadcast_in_dim3A_194 = vector.shape_cast %reduce_max3A_193 : vector<128xf32> to vector<128x1xf32>
    %eq3A_195 = vector.broadcast %broadcast_in_dim3A_194 : vector<128x1xf32> to vector<128x8192xf32>
    %eq3A_196 = arith.cmpf oeq, %select_n3A_191, %eq3A_195 : vector<128x8192xf32>
    %jit3A_197 = arith.constant 8192 : i32
    %broadcast_in_dim3A_198 = vector.broadcast %jit3A_197 : i32 to vector<128x8192xi32>
    %select_n3A_199 = arith.select %eq3A_196, %iota3A, %broadcast_in_dim3A_198 : vector<128x8192xi1>, vector<128x8192xi32>
    %reduce_min3A_200 = arith.constant dense<2147483647> : vector<128xi32>
    %reduce_min3A_201 = vector.multi_reduction <minsi>, %select_n3A_199, %reduce_min3A_200 [1] : vector<128x8192xi32> to vector<128xi32>
    %broadcast_in_dim3A_202 = vector.shape_cast %reduce_min3A_201 : vector<128xi32> to vector<128x1xi32>
    %jit3A_203 = arith.constant 0xFF800000 : f32
    %broadcast_in_dim3A_204 = vector.broadcast %jit3A_203 : f32 to vector<128x8192xf32>
    %select_n3A_205 = arith.select %eq3A_196, %broadcast_in_dim3A_204, %select_n3A_191 : vector<128x8192xi1>, vector<128x8192xf32>
    %reduce_max3A_206 = arith.constant dense<0xFF800000> : vector<128xf32>
    %reduce_max3A_207 = vector.multi_reduction <maximumf>, %select_n3A_205, %reduce_max3A_206 [1] : vector<128x8192xf32> to vector<128xf32>
    %broadcast_in_dim3A_208 = vector.shape_cast %reduce_max3A_207 : vector<128xf32> to vector<128x1xf32>
    %eq3A_209 = vector.broadcast %broadcast_in_dim3A_208 : vector<128x1xf32> to vector<128x8192xf32>
    %eq3A_210 = arith.cmpf oeq, %select_n3A_205, %eq3A_209 : vector<128x8192xf32>
    %jit3A_211 = arith.constant 8192 : i32
    %broadcast_in_dim3A_212 = vector.broadcast %jit3A_211 : i32 to vector<128x8192xi32>
    %select_n3A_213 = arith.select %eq3A_210, %iota3A, %broadcast_in_dim3A_212 : vector<128x8192xi1>, vector<128x8192xi32>
    %reduce_min3A_214 = arith.constant dense<2147483647> : vector<128xi32>
    %reduce_min3A_215 = vector.multi_reduction <minsi>, %select_n3A_213, %reduce_min3A_214 [1] : vector<128x8192xi32> to vector<128xi32>
    %broadcast_in_dim3A_216 = vector.shape_cast %reduce_min3A_215 : vector<128xi32> to vector<128x1xi32>
    %jit3A_217 = arith.constant 0xFF800000 : f32
    %broadcast_in_dim3A_218 = vector.broadcast %jit3A_217 : f32 to vector<128x8192xf32>
    %select_n3A_219 = arith.select %eq3A_210, %broadcast_in_dim3A_218, %select_n3A_205 : vector<128x8192xi1>, vector<128x8192xf32>
    %eq3A_220 = arith.constant 0xFF800000 : f32
    %eq3A_221 = vector.broadcast %eq3A_220 : f32 to vector<128x8192xf32>
    %eq3A_222 = arith.cmpf oeq, %select_n3A_219, %eq3A_221 : vector<128x8192xf32>
    %jit3A_223 = arith.constant 0.000000e+00 : f32
    %broadcast_in_dim3A_224 = vector.broadcast %jit3A_223 : f32 to vector<128x8192xf32>
    %select_n3A_225 = arith.select %eq3A_222, %max3A_15, %broadcast_in_dim3A_224 : vector<128x8192xi1>, vector<128x8192xf32>
    %swap3A = arith.constant 0 : index
    %swap3A_226 = arith.constant 0 : index
    %swap3A_227 = vector.load %arg5[%swap3A, %swap3A_226] : memref<128x8192xf32, #tpu.memory_space<vmem>>, vector<128x8192xf32>
    tpu.vector_store %arg5[%swap3A, %swap3A_226], %select_n3A_225 {strides = array<i32>} : memref<128x8192xf32, #tpu.memory_space<vmem>>, vector<128x8192xf32>,
    %broadcast_in_dim3A_228 = arith.constant 0.000000e+00 : f32
    %broadcast_in_dim3A_229 = vector.broadcast %broadcast_in_dim3A_228 : f32 to vector<128x1xf32>
    %concatenate3A = tpu.concatenate %broadcast_in_dim3A, %broadcast_in_dim3A_26, %broadcast_in_dim3A_40, %broadcast_in_dim3A_54, %broadcast_in_dim3A_68, %broadcast_in_dim3A_82, %broadcast_in_dim3A_96, %broadcast_in_dim3A_110, %broadcast_in_dim3A_124, %broadcast_in_dim3A_138, %broadcast_in_dim3A_152, %broadcast_in_dim3A_166, %broadcast_in_dim3A_180, %broadcast_in_dim3A_194, %broadcast_in_dim3A_208, %broadcast_in_dim3A_229 in 1 : vector<128x1xf32>, vector<128x1xf32>, vector<128x1xf32>, vector<128x1xf32>, vector<128x1xf32>, vector<128x1xf32>, vector<128x1xf32>, vector<128x1xf32>, vector<128x1xf32>, vector<128x1xf32>, vector<128x1xf32>, vector<128x1xf32>, vector<128x1xf32>, vector<128x1xf32>, vector<128x1xf32>, vector<128x1xf32> -> vector<128x16xf32>
    %swap3A_230 = arith.constant 0 : index
    %swap3A_231 = arith.constant 0 : index
    %swap3A_232 = vector.load %arg6[%swap3A_230, %swap3A_231] : memref<128x16xf32, #tpu.memory_space<vmem>>, vector<128x16xf32>
    tpu.vector_store %arg6[%swap3A_230, %swap3A_231], %concatenate3A {strides = array<i32>} : memref<128x16xf32, #tpu.memory_space<vmem>>, vector<128x16xf32>,
    %broadcast_in_dim3A_233 = arith.constant 2147483647 : i32
    %broadcast_in_dim3A_234 = vector.broadcast %broadcast_in_dim3A_233 : i32 to vector<128x1xi32>
    %concatenate3A_235 = tpu.concatenate %broadcast_in_dim3A_20, %broadcast_in_dim3A_34, %broadcast_in_dim3A_48, %broadcast_in_dim3A_62, %broadcast_in_dim3A_76, %broadcast_in_dim3A_90, %broadcast_in_dim3A_104, %broadcast_in_dim3A_118, %broadcast_in_dim3A_132, %broadcast_in_dim3A_146, %broadcast_in_dim3A_160, %broadcast_in_dim3A_174, %broadcast_in_dim3A_188, %broadcast_in_dim3A_202, %broadcast_in_dim3A_216, %broadcast_in_dim3A_234 in 1 : vector<128x1xi32>, vector<128x1xi32>, vector<128x1xi32>, vector<128x1xi32>, vector<128x1xi32>, vector<128x1xi32>, vector<128x1xi32>, vector<128x1xi32>, vector<128x1xi32>, vector<128x1xi32>, vector<128x1xi32>, vector<128x1xi32>, vector<128x1xi32>, vector<128x1xi32>, vector<128x1xi32>, vector<128x1xi32> -> vector<128x16xi32>
    %swap3A_236 = arith.constant 0 : index
    %swap3A_237 = arith.constant 0 : index
    %swap3A_238 = vector.load %arg7[%swap3A_236, %swap3A_237] : memref<128x16xi32, #tpu.memory_space<vmem>>, vector<128x16xi32>
    tpu.vector_store %arg7[%swap3A_236, %swap3A_237], %concatenate3A_235 {strides = array<i32>} : memref<128x16xi32, #tpu.memory_space<vmem>>, vector<128x16xi32>,
    return
  }
  func.func @transform_0(%arg0: i32) -> (i32, i32) {
    %c0_i32 = arith.constant 0 : i32
    %c0_i32_0 = arith.constant 0 : i32
    return %arg0, %c0_i32 : i32, i32
  }
  func.func @transform_1(%arg0: i32) -> (i32, i32) {
    %c0_i32 = arith.constant 0 : i32
    %c0_i32_0 = arith.constant 0 : i32
    return %arg0, %c0_i32 : i32, i32
  }
  func.func @transform_2(%arg0: i32) -> (i32, i32) {
    %c0_i32 = arith.constant 0 : i32
    %c0_i32_0 = arith.constant 0 : i32
    %c0_i32_1 = arith.constant 0 : i32
    return %c0_i32, %c0_i32_0 : i32, i32
  }
  func.func @transform_3(%arg0: i32) -> (i32, i32) {
    %c0_i32 = arith.constant 0 : i32
    %c0_i32_0 = arith.constant 0 : i32
    %c0_i32_1 = arith.constant 0 : i32
    return %c0_i32, %c0_i32_0 : i32, i32
  }
  func.func @transform_4(%arg0: i32) -> (i32, i32) {
    %c0_i32 = arith.constant 0 : i32
    %c0_i32_0 = arith.constant 0 : i32
    return %arg0, %c0_i32 : i32, i32
  }
  func.func @transform_5(%arg0: i32) -> (i32, i32) {
    %c0_i32 = arith.constant 0 : i32
    %c0_i32_0 = arith.constant 0 : i32
    return %arg0, %c0_i32 : i32, i32
  }
  func.func @transform_6(%arg0: i32) -> (i32, i32) {
    %c0_i32 = arith.constant 0 : i32
    %c0_i32_0 = arith.constant 0 : i32
    return %arg0, %c0_i32 : i32, i32
  }
}

</mosaic_0001>

<sc_bundles>
// kernel: kernel.5.cloned.1.call-start
scs
__scs_entry_jumppad:
0x0: {  	(pc) =	sbr.rel $0x88, $3  }
0x1: {  	(tag) =	ssettag $0x0;
	lr =	simm.s32 $0x1  }
0x2: {  	[smem:$0x3F92] =	sst lr;
	_ =	strace $0xD0000000  }
0x3: {  	_ = 	snop  }
0x4: {  	_ = 	snop  }
0x5: {  	_ = 	snop  }
0x6: {  	_ = 	snop  }
0x7: {  	_ = 	snop  }
__scs_overlays_trampoline_lowered:
0x8: {  	[smem:$0x3FA1] =	sst s0  }
0x9: {  	[smem:$0x3FA2] =	sst s1  }
0xa: {  	[smem:$0x3FA3] =	sst s2  }
0xb: {  	[smem:$0x3FA4] =	sst s3  }
0xc: {  	[smem:$0x3FA5] =	sst s4  }
0xd: {  	[smem:$0x3FA6] =	sst s5  }
0xe: {  	[smem:$0x3FA7] =	sst s6  }
0xf: {  	[smem:$0x3FA8] =	sst s7  }
0x10: {  	[smem:$0x3FA9] =	sst s8  }
0x11: {  	[smem:$0x3FAA] =	sst s9;
	s0 =	simm.s32 @!p0 $0x0  }
0x12: {  	s1 =	sld [smem:$0x3F90];
	s0 =	simm.s32 @p0 $0x1  }
0x13: {  	[smem:$0x3FAB] =	sst s0;
	s0 =	simm.s32 @!p1 $0x0  }
0x14: {  	s2 =	sld [smem:$0x3F8F];
	s0 =	simm.s32 @p1 $0x1  }
0x15: {  	[smem:$0x3FAC] =	sst s0;
	s0 =	simm.s32 @!p2 $0x0  }
0x16: {  	s3 =	sld [smem:$0x3FDB];
	s0 =	simm.s32 @p2 $0x1  }
0x17: {  	s4 =	simm.s32 $0x1BF5;
	[smem:$0x3FAE] =	sst s0  }
0x18: {  	s0 =	sld [smem:$0x3F91];
	_ =	swait.ge [sflag:s4], $0x0  }
0x19: {  	s7 =	sld [smem:$0x3F92]  }
0x1a: {  	s8 =	sadd.s32 $0xFFFFE003, lr  }
0x1b: {  	s9 =	sadd.s32 $0xFFFFFEF7, lr;
	s5 =	simm.s32 $0xFFFFFFFF;
	p2 =	slt.u32 s8, $0xFFFFF086  }
0x1c: {  	p1 =	slt.u32 s9, $0xF7A;
	s5 =	simm.s32 @!p2 $0x0  }
0x1d: {  	s5 =	simm.s32 @p1 $0x1;
	p0 =	seq.s32 s7, s2  }
0x1e: {  	s7 =	smul.u32 @!p0 $0xF7A, s2;
	p2 =	seq.s32 @!p0 s5, $0x0  }
0x1f: {  	s9 =	smul.u32 $0xF7A, s1;
	s8 =	simm.s32 @!p0 $0x1BF5;
	p2 =	por !p2, p0  }
0x20: {  	[sflag:s8] =	ssyncset.s32 @!p0 $0xFFFFF086;
	s6 =	sadd.s32 @!p0 s3, s7;
	s7 =	simm.s32 @!p0 $0x108  }
0x21: {  	s3 =	sadd.s32 s3, s9;
	s6 =	sadd.s32 @!p0 $0x88, s6;
	s7 =	simm.s32 @p2 $0x1082  }
0x22: {  	[simem:s7], [sflag:s8] =	dma.local @!p0 [hbm:s6], $0xF7A  }
0x23: {  	s9 =	sor.u32 $0xD0000000, s2;
	s6 =	simm.s32 $0x108;
	_ =	swait.ge @!p0 [sflag:s8], $0x0  }
0x24: {  	s3 =	sadd.s32 $0x88, s3;
	s6 =	simm.s32 @!p1 $0x1082;
	[sflag:s4] =	ssyncset.s32 $0xFFFFF086  }
0x25: {  	[simem:s6], [sflag:s4] =	dma.local [hbm:s3], $0xF7A  }
0x26: {  	[smem:$0x3F92] =	sst s1;
	(tag) =	ssettag s2;
	_ =	strace s9  }
0x27: {  	s1 =	sld [smem:$0x3FA2]  }
0x28: {  	s2 =	sld [smem:$0x3FA3]  }
0x29: {  	s4 =	sld [smem:$0x3FA5]  }
0x2a: {  	p0 =	seq.s32 s5, $0x0;
	s5 =	sld [smem:$0x3FA6]  }
0x2b: {  	s6 =	sld [smem:$0x3FA7]  }
0x2c: {  	s7 =	sld [smem:$0x3FA8]  }
0x2d: {  	s3 =	simm.s32 $0x108;
	s8 =	sld [smem:$0x3FA9]  }
0x2e: {  	s3 =	simm.s32 @!p0 $0x1082;
	s9 =	sld [smem:$0x3FAA]  }
0x2f: {  	lr =	sadd.s32 s0, s3;
	s0 =	sld [smem:$0x3FA1]  }
0x30: {  	s3 =	sld [smem:$0x3FA4]  }
0x31: {  	[smem:$0x3FAD] =	sst s10  }
0x32: {  	s10 =	sld [smem:$0x3FAB];
	_ =	sdelay $0x3  }
0x33: {  	p0 =	seq.s32 s10, $0x1;
	s10 =	sld [smem:$0x3FAD];
	_ =	sdelay $0x3  }
0x34: {  	[smem:$0x3FAD] =	sst s10  }
0x35: {  	s10 =	sld [smem:$0x3FAC];
	_ =	sdelay $0x3  }
0x36: {  	p1 =	seq.s32 s10, $0x1;
	s10 =	sld [smem:$0x3FAD];
	_ =	sdelay $0x3  }
0x37: {  	[smem:$0x3FAD] =	sst s10  }
0x38: {  	s10 =	sld [smem:$0x3FAE]  }
0x39: {  	_ = 	snop;
	(pc) =	sbr.ind lr, $3  }
0x3a: {  	_ = 	snop  }
0x3b: {  	_ = 	snop  }
0x3c: {  	p2 =	seq.s32 s10, $0x1;
	s10 =	sld [smem:$0x3FAD]  }
0x3d: {  	_ =	shalt  }
0x3e: {  	_ =	shalt  }
0x3f: {  	_ =	shalt  }
0x40: {  	_ =	shalt  }
0x41: {  	_ =	shalt  }
0x42: {  	_ =	shalt  }
0x43: {  	_ =	shalt  }
0x44: {  	_ =	shalt  }
0x45: {  	_ =	shalt  }
0x46: {  	_ =	shalt  }
0x47: {  	_ =	shalt  }
0x48: {  	_ =	shalt  }
0x49: {  	_ =	shalt  }
0x4a: {  	_ =	shalt  }
0x4b: {  	_ =	shalt  }
0x4c: {  	_ =	shalt  }
0x4d: {  	_ =	shalt  }
0x4e: {  	_ =	shalt  }
0x4f: {  	_ =	shalt  }
0x50: {  	_ =	shalt  }
0x51: {  	_ =	shalt  }
0x52: {  	_ =	shalt  }
0x53: {  	_ =	shalt  }
0x54: {  	_ =	shalt  }
0x55: {  	_ =	shalt  }
0x56: {  	_ =	shalt  }
0x57: {  	_ =	shalt  }
0x58: {  	_ =	shalt  }
0x59: {  	_ =	shalt  }
0x5a: {  	_ =	shalt  }
0x5b: {  	_ =	shalt  }
0x5c: {  	_ =	shalt  }
0x5d: {  	_ =	shalt  }
0x5e: {  	_ =	shalt  }
0x5f: {  	_ =	shalt  }
0x60: {  	_ =	shalt  }
0x61: {  	_ =	shalt  }
0x62: {  	_ =	shalt  }
0x63: {  	_ =	shalt  }
0x64: {  	_ =	shalt  }
0x65: {  	_ =	shalt  }
0x66: {  	_ =	shalt  }
0x67: {  	_ =	shalt  }
0x68: {  	_ =	shalt  }
0x69: {  	_ =	shalt  }
0x6a: {  	_ =	shalt  }
0x6b: {  	_ =	shalt  }
0x6c: {  	_ =	shalt  }
0x6d: {  	_ =	shalt  }
0x6e: {  	_ =	shalt  }
0x6f: {  	_ =	shalt  }
0x70: {  	_ =	shalt  }
0x71: {  	_ =	shalt  }
0x72: {  	_ =	shalt  }
0x73: {  	_ =	shalt  }
0x74: {  	_ =	shalt  }
0x75: {  	_ =	shalt  }
0x76: {  	_ =	shalt  }
0x77: {  	_ =	shalt  }
0x78: {  	_ =	shalt  }
0x79: {  	_ =	shalt  }
0x7a: {  	_ =	shalt  }
0x7b: {  	_ =	shalt  }
0x7c: {  	_ =	shalt  }
0x7d: {  	_ =	shalt  }
0x7e: {  	_ =	shalt  }
0x7f: {  	_ =	shalt  }
0x80: {  	_ =	shalt  }
0x81: {  	_ =	shalt  }
0x82: {  	_ =	shalt  }
0x83: {  	_ =	shalt  }
0x84: {  	_ =	shalt  }
0x85: {  	_ =	shalt  }
0x86: {  	_ =	shalt  }
0x87: {  	_ =	shalt  }
.Lfunc_end0:
.L_simem_size_0:
called_computation_lowered:
.L_overlay_start_0:
0x88: {  	s2 =	sld [smem:$0x3FD9]  }
0x89: {  	s3 =	sld [smem:$0x3FFE];
	_ =	sdelay $0x1  }
0x8a: {  	s1 =	srdreg.scid  }
0x8b: {  	s0 =	sand.u32 $0x1, s1  }
0x8c: {  	s16 =	sshll.u32 s0, $0xA;
	s2 =	sadd.s32 s3, s2  }
0x8d: {  	s2 =	sadd.s32 s2, s16  }
0x8e: {  	[smem:$0x3FB9] =	sst s2  }
0x8f: {  	_ = 	snop  }
0x90: {  	(tm) =	ssettm $0x1  }
0x91: {  	s17 =	sld [smem:$0x3FFB];
	_ =	sdelay $0x3  }
0x92: {  	_ =	strace s17  }
0x93: {  	s2 =	sld [smem:$0x3FFC];
	_ =	sdelay $0x3  }
0x94: {  	_ =	strace s2  }
0x95: {  	s2 =	sld [smem:$0x3FFD];
	_ =	sdelay $0x3  }
0x96: {  	_ =	strace s2  }
0x97: {  	_ =	strace $0x8FFFFFFF  }
0x98: {  	s18 =	sld [smem:$0x3FDB];
	_ =	sdelay $0x1  }
0x99: {  	s19 =	simm.s32 $_scs_section_size  }
0x9a: {  	s4 =	simm.s32 $_size__tile_overlayer_lowered;
	s5 =	simm.s32 $_tile_overlayer_lowered  }
0x9b: {  	s22 =	simm.s32 $0x1BFF;
	s21 =	sshll.u32 s5, $0x1;
	s2 =	sadd.s32 s19, s18  }
0x9c: {  	s6 =	simm.s32 $0x0;
	s20 =	sshll.u32 s4, $0x1;
	s4 =	sadd.s32 s21, s2  }
0x9d: {  	[timem:s6], [sflag:s22] =	dma.local [hbm:s4], s20  }
0x9e: {  	_ =	swait.ge [sflag:s22], s20  }
0x9f: {  	s3 =	ssub.s32 $0x0, s20;
	[sflag:s22] =	ssyncset.done $0x0  }
0xa0: {  	[sflag:s22] =	ssyncadd.s32 s3;
	_ =	sdelay $0x1  }
0xa1: {  	s23 =	simm.s32 $0x1B8B  }
0xa2: {  	_ =	swait.ge [sflag:s23], $0x1  }
0xa3: {  	[sflag:s23] =	ssyncset.done $0x0  }
0xa4: {  	s25 =	simm.s32 $0x1B8E;
	s24 =	sld [smem:$0x3FFE];
	[sflag:s23] =	ssyncadd.s32 $0xFFFFFFFF  }
0xa5: {  	s26 =	simm.s32 $execute0_lowered;
	[smem:$0x3FD2] =	sst s25  }
0xa6: {  	s4 =	sshll.u32 s26, $0x1;
	_ =	strace $0x80000046;
	[dreg:$0x1] =	wrdreg $0xFFFFFFFF  }
0xa7: {  	s28 =	simm.s32 $_size_execute0_lowered;
	s2 =	sadd.s32 s2, s4;
	[dreg:$0x0] =	wrdreg $0x0  }
0xa8: {  	s4 =	sshll.u32 s28, $0x1;
	[dreg:$0x2] =	wrdreg s2  }
0xa9: {  	[dreg:$0x3] =	wrdreg s4  }
0xaa: {  	[dreg:$0x4] =	wrdreg $0xC0  }
0xab: {  	_ =	task [dreg:s6], $0x5FFFF  }
0xac: {  	[dreg:$0x1] =	wrdreg $0xFFFFFFFF  }
0xad: {  	[dreg:$0x0] =	wrdreg $0x60  }
0xae: {  	[dreg:$0x2] =	wrdreg s24  }
0xaf: {  	[dreg:$0x3] =	wrdreg $0x9  }
0xb0: {  	_ =	task.clear_ibuf [dreg:s6], $0x4FFFF;
	_ =	strace $0x90000046  }
0xb1: {  	s29 =	simm.s32 $0x9;
	_ =	strace $0x80000048  }
0xb2: {  	_ =	swait.ge [sflag:s29], $0x1  }
0xb3: {  	[sflag:s29] =	ssyncadd.s32 $0xFFFFFFFF  }
0xb4: {  	_ =	strace $0x90000048  }
0xb5: {  	_ =	sfence  }
0xb6: {  	s30 =	sld [smem:$0x0];
	_ =	sdelay $0x2  }
0xb7: {  	s31 =	sshll.u32 s1, $0xD;
	s1 =	sshrl.u32 s1, $0x2  }
0xb8: {  	s3 =	sand.u32 $0x4000, s31;
	s1 =	sadd.s32 s1, s30  }
0xb9: {  	s0 =	sor.u32 s3, s0;
	s1 =	sshll.u32 s1, $0x11  }
0xba: {  	s0 =	sor.u32 s1, s0  }
0xbb: {  	s0 =	sadd.s32 $0x8F2B, s0  }
0xbc: {  	[sflag:s0] =	ssyncadd.remote.s32 $0x1  }
0xbd: {  	_ =	sfence.sel $0xFFFF  }
0xbe: {  	[dreg:$0x0] =	wrdreg $0xFFFFFFFF;
	(pc) =	sbr.abs _section_cstart, $3  }
0xbf: {  	[dreg:$0x1] =	wrdreg $0xFFFFFFFF  }
0xc0: {  	_ =	task.clear_ibuf [dreg:s6], $0x2FFFF;
	_ =	strace $0x9FFFFFFF  }
0xc1: {  	(tm) =	ssettm $0x7FFFFFFF  }
tec
execute0_lowered:
.L_overlay_start_1:
0x0: {  	(tag) =	ssettag $0x1  }
0x1: {  	s3 =	rddreg [dreg:$0x0];
	s2 =	srdreg.scid  }
0x2: {  	s0 =	rddreg [dreg:$0x1];
	s1 =	stileid.u32;
	s8 =	simm.s32 $0x1  }
0x3: {  	s9 =	simm.s32 $0x8000;
	s10 =	simm.s32 $0x0;
	s4 =	sand.u32 $0x1, s2  }
0x4: {  	s2 =	simm.s32 $0x0;
	s5 =	sshll.u32 s1, $0xD;
	s6 =	sshll.u32 s4, $0xC  }
0x5: {  	[smem:$0x7FF] =	sst s2;
	s4 =	ssub.s32 $0x2, s4;
	s5 =	sor.u32 s6, s5  }
0x6: {  	_ =	strace $0x80000047;
	s31 =	sshrl.u32 s4, $0x1;
	s6 =	sadd.s32 s5, s3  }
0x7: {  	s7 =	ssub.s32 s4, s31;
	s3 =	sadd.s32 $0x1400, s6;
	s4 =	sadd.s32 $0x21400, s6  }
0x8: {  	s5 =	sadd.s32 $0x41400, s6;
	s6 =	sadd.s32 $0x61400, s6;
	s7 =	smax.u32 s7, $0x1  }
.LBB2_1:
0x9: {  	[tilespmem:s2], [sflag:$0x1] =	stream.linear.gather [hbm4b:s3+s2], $0x8000, $0x38;
	[tilespmem:$0x10000] =	vst v63  }
0xa: {  	_ =	swait.ge [sflag:s8], $0x8000  }
0xb: {  	[sflag:s8] =	ssyncset.done $0x0  }
0xc: {  	[sflag:s8] =	ssyncadd.s32 $0xFFFF8000  }
0xd: {  	[tilespmem:s9], [sflag:$0x1] =	stream.linear.gather [hbm4b:s4+s2], $0x8000, $0x38;
	[tilespmem:$0x10000] =	vst v63  }
0xe: {  	_ =	swait.ge [sflag:s8], $0x8000  }
0xf: {  	[sflag:s8] =	ssyncset.done $0x0  }
0x10: {  	s11 =	simm.s32 $0x0;
	s12 =	simm.s32 $0x200;
	[sflag:s8] =	ssyncadd.s32 $0xFFFF8000  }
.LBB2_2:
0x11: {  	p0 =	sne.s32 s12, $0x1FE00;
	v0 =	vld [tilespmem:s11+$0x0]  }
0x12: {  	v1 =	vld [tilespmem:s11+$0x8000];
	_ =	sdelay $0x3  }
0x13: {  	v0 =	vxor.u32 $0x80000000, v0  }
0x14: {  	(xrf1) =	vsort.ascd.msk.u32 $0xffff, v0, v1;
	_ =	sdelay $0xb  }
.Ltmp0:
0x15: {  	(pc) =	sbr.rel @p0 .LBB2_2-.Ltmp0, $4  }
0x16: {  	_ = 	snop  }
0x17: {  	v0, v1, _ =	vpop (xrf1)  }
0x18: {  	v0 =	vxor.u32 $0x80000000, v0;
	[tilespmem:s11+$0x8000] =	vst v1  }
0x19: {  	[tilespmem:s11+$0x0] =	vst v0;
	s11 =	sshra.s32 s12, $0x2;
	s12 =	sadd.s32 $0x200, s12  }
0x1a: {  	v0 =	vld [tilespmem:s11+$0x0]  }
0x1b: {  	v1 =	vld [tilespmem:s11+$0x8000];
	_ =	sdelay $0x3  }
0x1c: {  	v0 =	vxor.u32 $0x80000000, v0  }
0x1d: {  	(xrf1) =	vsort.ascd.msk.u32 $0xffff, v0, v1;
	_ =	sdelay $0xd  }
0x1e: {  	v0, v1, _ =	vpop (xrf1)  }
0x1f: {  	v0 =	vxor.u32 $0x80000000, v0;
	[tilespmem:s11+$0x8000] =	vst v1  }
0x20: {  	[tilespmem:s11+$0x0] =	vst v0  }
0x21: {  	[hbm4b:s5+s2] =	stream.linear.scatter [tilespmem:s2], [sflag:$0x1], $0x8000, $0x38;
	[tilespmem:$0x10000] =	vst v63  }
0x22: {  	s10 =	sadd.s32 $0x1, s10;
	_ =	swait.ge [sflag:s8], $0x8000  }
0x23: {  	p0 =	sne.s32 s10, s7;
	[sflag:s8] =	ssyncset.done $0x0  }
.Ltmp1:
0x24: {  	[sflag:s8] =	ssyncadd.s32 $0xFFFF8000;
	(pc) =	sbr.rel @p0 .LBB2_1-.Ltmp1, $4  }
0x25: {  	[hbm4b:s6+s2] =	stream.linear.scatter [tilespmem:s9], [sflag:$0x1], $0x8000, $0x38;
	[tilespmem:$0x10000] =	vst v63  }
0x26: {  	_ =	swait.ge [sflag:s8], $0x8000  }
0x27: {  	[sflag:s8] =	ssyncset.done $0x0  }
0x28: {  	[sflag:s8] =	ssyncadd.s32 $0xFFFF8000  }
0x29: {  	_ =	sfence.sel $0x180000  }
0x2a: {  	[bflag:$0x0] =	sbarrier.arrive $0xFFFF  }
0x2b: {  	p0 =	sne.s32 s1, $0x0;
	_ =	strace $0x90000047  }
0x2c: {  	s0 =	sadd.s32 @!p0 $0x100000, s0;
	[bflag:$0x2] =	sbarrier.arrive $0xFFFF  }
0x2d: {  	[sflag:s0] =	ssyncadd.tile.s32 @!p0 $0x1;
	_ =	shalt  }
.Lfunc_end2:
_tile_overlayer_lowered:
.L_overlay_start_2:
0x2e: {  	(tag) =	ssettag $0x2  }
0x2f: {  	s0 =	rddreg [dreg:$0x0];
	s2 =	stileid.u32  }
0x30: {  	s1 =	rddreg [dreg:$0x1];
	p0 =	sne.s32 s2, $0x0  }
0x31: {  	s3 =	rddreg [dreg:$0x2];
	[bflag:$0x3] =	sbarrier.arrive $0xFFFF;
	s2 =	simm.s32 @!p0 $0x1C01  }
0x32: {  	[timem:s3], [sflag:s2] =	dma.local @!p0 [hbm:s0], s1  }
0x33: {  	s0 =	simm.s32 @!p0 $0x1  }
0x34: {  	_ =	swait.ge @!p0 [sflag:s0], s1  }
0x35: {  	s1 =	ssub.s32 @!p0 $0x0, s1;
	[sflag:s0] =	ssyncset.done @!p0 $0x0  }
0x36: {  	[sflag:s0] =	ssyncadd.s32 @!p0 s1  }
0x37: {  	[bflag:$0x3] =	sbarrier.arrive $0xFFFF  }
0x38: {  	_ =	shalt  }

</sc_bundles>
